<compile_context>
chip_gen: v7x
topology: tpu7x:2x2x1
jax: 0.10.2.dev20260603
libtpu: 0.0.44.dev20260713+nightly
codegen_flags: <defaults>
</compile_context>

<pallas_src>
import functools

import jax
import jax.numpy as jnp
from jax import lax
from jax.experimental import pallas as pl
from jax.experimental.pallas import tpu as pltpu
from jax.experimental.pallas import tpu_sc as plsc

D = 768
H = 12
DH = D // H
E = 8
K = 2
F = 3072
SB = 512
BT = 128
FB = 512
NF = F // FB


def _ln_rows(x, g, b):
    m = jnp.mean(x, axis=1, keepdims=True)
    xc = x - m
    v = jnp.mean(xc * xc, axis=1, keepdims=True)
    return xc * lax.rsqrt(v + 1e-5) * g + b



def _qkv_body(x_ref, g_ref, b_ref, wq_ref, bq_ref, wk_ref, bk_ref,
              wv_ref, bv_ref, q_ref, k_ref, v_ref):
    h = _ln_rows(x_ref[...], g_ref[...], b_ref[...]).astype(jnp.bfloat16)
    for w_ref, bb_ref, o_ref in ((wq_ref, bq_ref, q_ref),
                                 (wk_ref, bk_ref, k_ref),
                                 (wv_ref, bv_ref, v_ref)):
        r = jnp.dot(h, w_ref[...].astype(jnp.bfloat16),
                    preferred_element_type=jnp.float32) + bb_ref[...]
        rb = r.astype(jnp.bfloat16)
        for hh in range(H):
            o_ref[hh, :, :] = rb[:, hh * DH:(hh + 1) * DH]


def _qkv_call(x, ln1_g, ln1_b, Wq, bq, Wk, bk, Wv, bv, interpret=False):
    S = x.shape[0]
    hd = jax.ShapeDtypeStruct((H, S, DH), jnp.bfloat16)
    full = lambda shp: pl.BlockSpec(shp, lambda s: (0,) * len(shp))
    return pl.pallas_call(
        _qkv_body,
        grid=(S // SB,),
        in_specs=[
            pl.BlockSpec((SB, D), lambda s: (s, 0)),
            full((1, D)), full((1, D)),
            full((D, D)), full((1, D)),
            full((D, D)), full((1, D)),
            full((D, D)), full((1, D)),
        ],
        out_specs=[pl.BlockSpec((H, SB, DH), lambda s: (0, s, 0))] * 3,
        out_shape=[hd, hd, hd],
        compiler_params=pltpu.CompilerParams(
            dimension_semantics=("parallel",)),
        interpret=interpret,
    )(x, ln1_g, ln1_b, Wq, bq, Wk, bk, Wv, bv)



def _attn_body(x_ref, q_ref, k_ref, v_ref, wo_ref, bo_ref, g2_ref, b2_ref,
               wrt_ref, x2_ref, tb_ref, lgt_ref):
    hh = pl.program_id(1)
    q = q_ref[0]
    k = k_ref[0]
    v = v_ref[0]
    s = lax.dot_general(q, k, (((1,), (1,)), ((), ())),
                        preferred_element_type=jnp.float32) * (DH ** -0.5)
    s = s - jnp.max(s, axis=1, keepdims=True)
    p = jnp.exp(s)
    p = p / jnp.sum(p, axis=1, keepdims=True)
    o = jnp.dot(p.astype(jnp.bfloat16), v, preferred_element_type=jnp.float32)
    op = jnp.dot(o.astype(jnp.bfloat16), wo_ref[...].astype(jnp.bfloat16),
                 preferred_element_type=jnp.float32)

    @pl.when(hh == 0)
    def _():
        x2_ref[...] = x_ref[...] + bo_ref[...] + op

    @pl.when(hh > 0)
    def _():
        x2_ref[...] += op

    @pl.when(hh == H - 1)
    def _():
        t = _ln_rows(x2_ref[...], g2_ref[...], b2_ref[...])
        tb_ref[...] = t.astype(jnp.bfloat16)
        lgt_ref[...] = lax.dot_general(wrt_ref[...], t, (((1,), (1,)), ((), ())),
                                       preferred_element_type=jnp.float32)


def _attn_call(x, q, k, v, Wo, bo, ln2_g, ln2_b, WrT, interpret=False):
    S = x.shape[0]
    full = lambda shp: pl.BlockSpec(shp, lambda s, h: (0,) * len(shp))
    return pl.pallas_call(
        _attn_body,
        grid=(S // SB, H),
        in_specs=[
            pl.BlockSpec((SB, D), lambda s, h: (s, 0)),
            pl.BlockSpec((1, SB, DH), lambda s, h: (h, s, 0)),
            pl.BlockSpec((1, S, DH), lambda s, h: (h, 0, 0)),
            pl.BlockSpec((1, S, DH), lambda s, h: (h, 0, 0)),
            pl.BlockSpec((DH, D), lambda s, h: (h, 0)),
            full((1, D)), full((1, D)), full((1, D)),
            full((E, D)),
        ],
        out_specs=[
            pl.BlockSpec((SB, D), lambda s, h: (s, 0)),
            pl.BlockSpec((SB, D), lambda s, h: (s, 0)),
            pl.BlockSpec((E, SB), lambda s, h: (0, s)),
        ],
        out_shape=[
            jax.ShapeDtypeStruct((S, D), jnp.float32),
            jax.ShapeDtypeStruct((S, D), jnp.bfloat16),
            jax.ShapeDtypeStruct((E, S), jnp.float32),
        ],
        compiler_params=pltpu.CompilerParams(
            dimension_semantics=("parallel", "arbitrary")),
        interpret=interpret,
    )(x, q, k, v, Wo, bo, ln2_g, ln2_b, WrT)



def _moe_body(be_ref, st_ref, sg_ref, t_ref, w1_ref, b1_ref, w2_ref, b2_ref,
              y_ref, x_scr, acc_scr):
    S = t_ref.shape[0]
    f = pl.program_id(1)

    @pl.when(f == 0)
    def _():
        st = st_ref[...].astype(jnp.float32)
        iot = lax.broadcasted_iota(jnp.int32, (BT, S), 1).astype(jnp.float32)
        oh = jnp.where(st == iot,
                       jnp.float32(1), jnp.float32(0)).astype(jnp.bfloat16)
        x_scr[...] = jnp.dot(oh, t_ref[...],
                             preferred_element_type=jnp.float32).astype(jnp.bfloat16)
        acc_scr[...] = jnp.broadcast_to(b2_ref[0], (BT, D))

    h1 = jnp.dot(x_scr[...], w1_ref[0].astype(jnp.bfloat16),
                 preferred_element_type=jnp.float32) + b1_ref[0]
    h1 = 0.5 * h1 * (1.0 + lax.erf(h1 * (2 ** -0.5)))
    acc_scr[...] += jnp.dot(h1.astype(jnp.bfloat16), w2_ref[0].astype(jnp.bfloat16),
                            preferred_element_type=jnp.float32)

    @pl.when(f == NF - 1)
    def _():
        y_ref[...] = (acc_scr[...] * sg_ref[...]).astype(jnp.bfloat16)


def _moe_call(blk_e, st, sg, tbf, W1, b1, W2, b2, P, interpret=False):
    S = tbf.shape[0]
    NB = P // BT
    grid_spec = pltpu.PrefetchScalarGridSpec(
        num_scalar_prefetch=1,
        grid=(NB, NF),
        in_specs=[
            pl.BlockSpec((BT, 1), lambda b, f, be: (b, 0)),
            pl.BlockSpec((BT, 1), lambda b, f, be: (b, 0)),
            pl.BlockSpec((S, D), lambda b, f, be: (0, 0)),
            pl.BlockSpec((1, D, FB), lambda b, f, be: (be[b], 0, f)),
            pl.BlockSpec((1, 1, FB), lambda b, f, be: (be[b], 0, f)),
            pl.BlockSpec((1, FB, D), lambda b, f, be: (be[b], f, 0)),
            pl.BlockSpec((1, 1, D), lambda b, f, be: (be[b], 0, 0)),
        ],
        out_specs=pl.BlockSpec((BT, D), lambda b, f, be: (b, 0)),
        scratch_shapes=[
            pltpu.VMEM((BT, D), jnp.bfloat16),
            pltpu.VMEM((BT, D), jnp.float32),
        ],
    )
    return pl.pallas_call(
        _moe_body,
        grid_spec=grid_spec,
        out_shape=jax.ShapeDtypeStruct((P, D), jnp.bfloat16),
        compiler_params=pltpu.CompilerParams(
            dimension_semantics=("arbitrary", "arbitrary")),
        interpret=interpret,
    )(blk_e, st, sg, tbf, W1, b1, W2, b2)



_STAGE = 99
NSC = 16
TW = 2048 // NSC
NG = TW // 16


def _iota16():
    return lax.broadcasted_iota(jnp.int32, (16,), 0)


def _lane(vec, e):
    return jnp.sum(jnp.where(_iota16() == e, vec, 0))


def _route_body(lg_ref, st_ref, sg_ref, be_ref, lb_ref, pos_ref,
                lg_v, idx_v, gat_v, cnt_stage_v, pm_stage_v, cnt_all_v,
                pm_all_v, pos_v0, pos_v1, st_v, sg_v, posall_v, gatall_v,
                blk_v, lb_v, sh_cnt, sh_pm, sh_pos, sh_gat):
    @pl.when(lax.axis_index("c") == 0)
    def _core0():
        _route_core0(lg_ref, st_ref, sg_ref, be_ref, lb_ref, pos_ref,
                     lg_v, idx_v, gat_v, cnt_stage_v, pm_stage_v, cnt_all_v,
                     pm_all_v, pos_v0, pos_v1, st_v, sg_v, posall_v, gatall_v,
                     blk_v, lb_v, sh_cnt, sh_pm, sh_pos, sh_gat)


def _route_core0(lg_ref, st_ref, sg_ref, be_ref, lb_ref, pos_ref,
                 lg_v, idx_v, gat_v, cnt_stage_v, pm_stage_v, cnt_all_v,
                 pm_all_v, pos_v0, pos_v1, st_v, sg_v, posall_v, gatall_v,
                 blk_v, lb_v, sh_cnt, sh_pm, sh_pos, sh_gat):
    P = st_ref.shape[0]
    w = lax.axis_index("s")
    iota = _iota16()

    pltpu.sync_copy(lg_ref.at[w], lg_v)
    base = w * TW
    pma = [jnp.zeros((16,), jnp.float32) for _ in range(E)]
    cnt0 = jnp.zeros((16,), jnp.int32)
    cnt1 = jnp.zeros((16,), jnp.int32)
    for g in range(NG):
        le = [lg_v[e, pl.ds(g * 16, 16)] for e in range(E)]
        m1 = le[0]
        i1 = jnp.zeros((16,), jnp.int32)
        for e in range(1, E):
            upd = le[e] > m1
            m1 = jnp.where(upd, le[e], m1)
            i1 = jnp.where(upd, e, i1)
        m2 = jnp.full((16,), -3.0e38, jnp.float32)
        i2 = jnp.zeros((16,), jnp.int32)
        for e in range(E):
            upd = (le[e] > m2) & (i1 != e)
            m2 = jnp.where(upd, le[e], m2)
            i2 = jnp.where(upd, e, i2)
        pe = [jnp.exp(le[e] - m1) for e in range(E)]
        ssum = pe[0]
        for e in range(1, E):
            ssum = ssum + pe[e]
        rinv = 1.0 / ssum
        for e in range(E):
            pma[e] = pma[e] + pe[e] * rinv
        g1 = 1.0 / (1.0 + jnp.exp(m2 - m1))
        idx_v[0, pl.ds(g * 16, 16)] = i1
        idx_v[1, pl.ds(g * 16, 16)] = i2
        gat_v[0, pl.ds(g * 16, 16)] = g1
        gat_v[1, pl.ds(g * 16, 16)] = 1.0 - g1
        for e in range(E):
            cnt0 = cnt0 + jnp.where(iota == e,
                                    jnp.sum((i1 == e).astype(jnp.int32)), 0)
            cnt1 = cnt1 + jnp.where(iota == e,
                                    jnp.sum((i2 == e).astype(jnp.int32)), 0)
    cnt_stage_v[0, :] = cnt0
    cnt_stage_v[1, :] = cnt1
    pltpu.sync_copy(cnt_stage_v, sh_cnt.at[w])
    for e in range(E):
        pm_stage_v[e, :] = pma[e]
    pltpu.sync_copy(pm_stage_v, sh_pm.at[w])

    plsc.subcore_barrier()

    if _STAGE == 0:
        @pl.when(w == 0)
        def _():
            for g in range(P // 16):
                st_v[pl.ds(g * 16, 16)] = jnp.zeros((16,), jnp.int32)
                sg_v[pl.ds(g * 16, 16)] = jnp.zeros((16,), jnp.float32)
            pltpu.sync_copy(st_v, st_ref)
            pltpu.sync_copy(sg_v, sg_ref)
            for i in range(3):
                blk_v[pl.ds(i * 16, 16)] = jnp.zeros((16,), jnp.int32)
            pltpu.sync_copy(blk_v, be_ref)
            lb_v[...] = jnp.zeros((16,), jnp.float32)
            pltpu.sync_copy(lb_v, lb_ref)
        for g in range(NG):
            pos_v0[pl.ds(g * 16, 16)] = jnp.zeros((16,), jnp.int32)
            pos_v1[pl.ds(g * 16, 16)] = jnp.zeros((16,), jnp.int32)
        pltpu.sync_copy(pos_v0, pos_ref.at[0, pl.ds(base, TW)])
        pltpu.sync_copy(pos_v1, pos_ref.at[1, pl.ds(base, TW)])
        return

    pltpu.sync_copy(sh_cnt, cnt_all_v)
    tot = jnp.zeros((16,), jnp.int32)
    pref0 = jnp.zeros((16,), jnp.int32)
    pref1 = jnp.zeros((16,), jnp.int32)
    for i in range(NSC):
        c0r = cnt_all_v[i, 0, :]
        c1r = cnt_all_v[i, 1, :]
        both = c0r + c1r
        tot = tot + both
        before = jnp.where(i < w, 1, 0)
        pref0 = pref0 + both * before
        pref1 = pref1 + both * before + c0r * jnp.where(i == w, 1, 0)
    pc = lax.shift_left(lax.shift_right_logical(tot + (BT - 1), 7), 7)
    ic = plsc.cumsum(pc)
    pad_off = ic - pc

    carry = [pad_off + pref0, pad_off + pref1]
    for g in range(NG):
        for j, pos_v in ((0, pos_v0), (1, pos_v1)):
            eid = idx_v[j, pl.ds(g * 16, 16)]
            pos = jnp.zeros((16,), jnp.int32)
            for e in range(E):
                m = eid == e
                mi = m.astype(jnp.int32)
                cs = plsc.cumsum(mi)
                ce = _lane(carry[j], e)
                pos = jnp.where(m, ce + cs - 1, pos)
                carry[j] = carry[j] + jnp.where(iota == e, jnp.sum(mi), 0)
            pos_v[pl.ds(g * 16, 16)] = pos
    pltpu.sync_copy(pos_v0, sh_pos.at[0, pl.ds(base, TW)])
    pltpu.sync_copy(pos_v1, sh_pos.at[1, pl.ds(base, TW)])
    pltpu.sync_copy(gat_v.at[0], sh_gat.at[0, pl.ds(base, TW)])
    pltpu.sync_copy(gat_v.at[1], sh_gat.at[1, pl.ds(base, TW)])
    pltpu.sync_copy(pos_v0, pos_ref.at[0, pl.ds(base, TW)])
    pltpu.sync_copy(pos_v1, pos_ref.at[1, pl.ds(base, TW)])

    plsc.subcore_barrier()

    if _STAGE == 1:
        @pl.when(w == 0)
        def _():
            for g in range(P // 16):
                st_v[pl.ds(g * 16, 16)] = jnp.zeros((16,), jnp.int32)
                sg_v[pl.ds(g * 16, 16)] = jnp.zeros((16,), jnp.float32)
            pltpu.sync_copy(st_v, st_ref)
            pltpu.sync_copy(sg_v, sg_ref)
            for i in range(3):
                blk_v[pl.ds(i * 16, 16)] = jnp.zeros((16,), jnp.int32)
            pltpu.sync_copy(blk_v, be_ref)
            lb_v[...] = (cnt_all_v[0, 0, :] + cnt_all_v[0, 1, :]).astype(jnp.float32)
            pltpu.sync_copy(lb_v, lb_ref)
        return

    @pl.when(w == 0)
    def _():
        for g in range(P // 16):
            st_v[pl.ds(g * 16, 16)] = jnp.zeros((16,), jnp.int32)
            sg_v[pl.ds(g * 16, 16)] = jnp.zeros((16,), jnp.float32)
        pltpu.sync_copy(sh_pos, posall_v)
        pltpu.sync_copy(sh_gat, gatall_v)
        for j in range(2):
            for g in range(2048 // 16):
                pidx = posall_v[j, pl.ds(g * 16, 16)]
                plsc.store_scatter(st_v, [pidx], iota + g * 16)
                plsc.store_scatter(sg_v, [pidx], gatall_v[j, pl.ds(g * 16, 16)])
        pltpu.sync_copy(st_v, st_ref)
        pltpu.sync_copy(sg_v, sg_ref)
        for i in range(3):
            bid = iota + i * 16
            acc = jnp.zeros((16,), jnp.int32)
            for e in range(E):
                ge = _lane(ic, e)
                acc = acc + (bid * BT >= ge).astype(jnp.int32)
            blk_v[pl.ds(i * 16, 16)] = jnp.minimum(acc, E - 1)
        pltpu.sync_copy(blk_v, be_ref)
        pltpu.sync_copy(sh_pm, pm_all_v)
        lbterm = jnp.zeros((16,), jnp.float32)
        totf = tot.astype(jnp.float32)
        for e in range(E):
            pmv = jnp.zeros((16,), jnp.float32)
            for wv in range(NSC):
                pmv = pmv + pm_all_v[wv, e, :]
            fe = jnp.sum(jnp.where(iota == e, totf, jnp.float32(0)))
            lbterm = lbterm + pmv * fe
        lb = jnp.sum(lbterm) * jnp.float32(0.01 * E / (4096.0 * 2048.0))
        lb_v[...] = jnp.where(iota == 0, lb, jnp.float32(0))
        pltpu.sync_copy(lb_v, lb_ref)


def _route_call(lgT3, P, interpret=False):
    mesh = plsc.VectorSubcoreMesh(core_axis_name="c", subcore_axis_name="s")
    return pl.kernel(
        _route_body,
        out_type=(
            jax.ShapeDtypeStruct((P,), jnp.int32),
            jax.ShapeDtypeStruct((P,), jnp.float32),
            jax.ShapeDtypeStruct((48,), jnp.int32),
            jax.ShapeDtypeStruct((16,), jnp.float32),
            jax.ShapeDtypeStruct((2, 2048), jnp.int32),
        ),
        mesh=mesh,
        scratch_types=(
            pltpu.VMEM((E, TW), jnp.float32),
            pltpu.VMEM((2, TW), jnp.int32),
            pltpu.VMEM((2, TW), jnp.float32),
            pltpu.VMEM((2, 16), jnp.int32),
            pltpu.VMEM((E, 16), jnp.float32),
            pltpu.VMEM((NSC, 2, 16), jnp.int32),
            pltpu.VMEM((NSC, E, 16), jnp.float32),
            pltpu.VMEM((TW,), jnp.int32),
            pltpu.VMEM((TW,), jnp.int32),
            pltpu.VMEM((P,), jnp.int32),
            pltpu.VMEM((P,), jnp.float32),
            pltpu.VMEM((2, 2048), jnp.int32),
            pltpu.VMEM((2, 2048), jnp.float32),
            pltpu.VMEM((48,), jnp.int32),
            pltpu.VMEM((16,), jnp.float32),
            pltpu.VMEM_SHARED((NSC, 2, 16), jnp.int32),
            pltpu.VMEM_SHARED((NSC, E, 16), jnp.float32),
            pltpu.VMEM_SHARED((2, 2048), jnp.int32),
            pltpu.VMEM_SHARED((2, 2048), jnp.float32),
        ),
        compiler_params=pltpu.CompilerParams(needs_layout_passes=False),
        interpret=interpret,
    )(lgT3)




def _slot_body(pa_ref, val_ref, st_ref, sg_ref):
    A = pa_ref.shape[1]
    b = pl.program_id(0)
    iot = lax.broadcasted_iota(jnp.int32, (SB, A), 0) + b * SB
    oh = jnp.where(pa_ref[...] == iot.astype(jnp.float32),
                   jnp.float32(1), jnp.float32(0))
    r = jnp.dot(oh, val_ref[...], preferred_element_type=jnp.float32)
    st_ref[...] = r[:, 0:1].astype(jnp.int32)
    sg_ref[...] = r[:, 1:2]


def _slot_call(pos_all, vals, P, interpret=False):
    A = pos_all.shape[1]
    return pl.pallas_call(
        _slot_body,
        grid=(P // SB,),
        in_specs=[
            pl.BlockSpec((1, A), lambda b: (0, 0)),
            pl.BlockSpec((A, 2), lambda b: (0, 0)),
        ],
        out_specs=[
            pl.BlockSpec((SB, 1), lambda b: (b, 0)),
            pl.BlockSpec((SB, 1), lambda b: (b, 0)),
        ],
        out_shape=[
            jax.ShapeDtypeStruct((P, 1), jnp.int32),
            jax.ShapeDtypeStruct((P, 1), jnp.float32),
        ],
        compiler_params=pltpu.CompilerParams(
            dimension_semantics=("parallel",)),
        interpret=interpret,
    )(pos_all, vals)




def _combine_body(p0_ref, p1_ref, x2_ref, y_ref, out_ref):
    P = y_ref.shape[0]
    i0 = p0_ref[...].astype(jnp.float32)
    i1 = p1_ref[...].astype(jnp.float32)
    iot = lax.broadcasted_iota(jnp.int32, (SB, P), 1).astype(jnp.float32)
    sel = (jnp.where(i0 == iot, jnp.float32(1), jnp.float32(0))
           + jnp.where(i1 == iot, jnp.float32(1), jnp.float32(0)))
    out_ref[...] = x2_ref[...] + jnp.dot(sel.astype(jnp.bfloat16), y_ref[...],
                                         preferred_element_type=jnp.float32)


def _combine_call(p0, p1, x2, y, interpret=False):
    S = x2.shape[0]
    P = y.shape[0]
    return pl.pallas_call(
        _combine_body,
        grid=(S // SB,),
        in_specs=[
            pl.BlockSpec((SB, 1), lambda s: (s, 0)),
            pl.BlockSpec((SB, 1), lambda s: (s, 0)),
            pl.BlockSpec((SB, D), lambda s: (s, 0)),
            pl.BlockSpec((P, D), lambda s: (0, 0)),
        ],
        out_specs=pl.BlockSpec((SB, D), lambda s: (s, 0)),
        out_shape=jax.ShapeDtypeStruct((S, D), jnp.float32),
        compiler_params=pltpu.CompilerParams(
            dimension_semantics=("parallel",)),
        interpret=interpret,
    )(p0, p1, x2, y)



def _route_jnp(lgT, N, P):
    logits = lgT.T
    probs = jax.nn.softmax(logits, axis=-1)
    i1 = jnp.argmax(probs, axis=-1)
    p1 = jnp.max(probs, axis=-1)
    masked = jnp.where(jax.nn.one_hot(i1, E, dtype=bool), -jnp.inf, probs)
    i2 = jnp.argmax(masked, axis=-1)
    p2 = jnp.max(masked, axis=-1)
    g1 = p1 / (p1 + p2)
    g2 = p2 / (p1 + p2)
    tw = N // NSC
    t_idx = jnp.arange(N).reshape(NSC, tw)
    eall = jnp.stack([i1.reshape(NSC, tw), i2.reshape(NSC, tw)], axis=1).reshape(-1)
    gall = jnp.stack([g1.reshape(NSC, tw), g2.reshape(NSC, tw)], axis=1).reshape(-1)
    tall = jnp.stack([t_idx, t_idx], axis=1).reshape(-1)
    oh = jax.nn.one_hot(eall, E, dtype=jnp.int32)
    counts = jnp.sum(oh, axis=0)
    pc = ((counts + BT - 1) // BT) * BT
    pad_end = jnp.cumsum(pc)
    pad_off = pad_end - pc
    rank = jnp.cumsum(oh, axis=0) - oh
    rank = jnp.take_along_axis(rank, eall[:, None], axis=1)[:, 0]
    pos = pad_off[eall] + rank
    vals = jnp.stack([tall.astype(jnp.float32), gall], axis=1)
    posr = pos.reshape(NSC, 2, tw)
    pos0 = posr[:, 0, :].reshape(N)
    pos1 = posr[:, 1, :].reshape(N)
    NBb = P // BT
    bstart = jnp.arange(NBb) * BT
    blk_e = jnp.sum((bstart[:, None] >= pad_end[None, :]).astype(jnp.int32), axis=1)
    blk_e = jnp.minimum(blk_e, E - 1)
    frac = counts.astype(jnp.float32) / (N * K)
    pmean = jnp.mean(probs, axis=0)
    lb = jnp.float32(0.01) * E * jnp.sum(frac * pmean)
    return pos.astype(jnp.float32).reshape(1, -1), vals, blk_e, pos0, pos1, lb


def kernel(x, ln1_g, ln1_b, ln2_g, ln2_b, Wq, bq, Wk, bk, Wv, bv, Wo, bo,
           Wr, W1, b1, W2, b2, interpret=False):
    B, S, _ = x.shape
    N = B * S
    P = K * N + E * BT
    x2d = x.reshape(N, D)
    r1 = lambda a: a.reshape(1, D)
    q, k, v = _qkv_call(x2d, r1(ln1_g), r1(ln1_b), Wq, r1(bq), Wk, r1(bk),
                        Wv, r1(bv), interpret=interpret)
    x2, tbf, lgT = _attn_call(x2d, q, k, v, Wo, r1(bo), r1(ln2_g), r1(ln2_b),
                              Wr.T, interpret=interpret)
    pos_all, vals, be, pos0, pos1, lb = _route_jnp(lgT, N, P)
    st, sg = _slot_call(pos_all, vals, P, interpret=interpret)
    y = _moe_call(be, st, sg, tbf,
                  W1, b1.reshape(E, 1, F), W2, b2.reshape(E, 1, D), P,
                  interpret=interpret)
    out = _combine_call(pos0.reshape(N, 1), pos1.reshape(N, 1), x2, y,
                        interpret=interpret).reshape(B, S, D)
    return out, lb

# --- scband reference (transcript-rebuilt; emitter-appended) ---
"""Pipeline reference for scband-nucleus1-transformer-mo-eblock-30167850287418 (READ-ONLY COPY).

The authoritative reference and input builder live on the scoring server;
editing this copy changes nothing except your own understanding.
"""

import jax, jax.numpy as jnp
import numpy as np

EMBED_DIM = 768
NUM_HEADS = 12
NUM_EXPERTS = 8
TOPK = 2
LB_W = 0.01
FF = EMBED_DIM * 4


def setup_inputs(seed: int = 0) -> dict:
    key = jax.random.key(seed)
    ks = jax.random.split(key, 16)
    D, E, F = EMBED_DIM, NUM_EXPERTS, FF
    def w(k, shape):
        return jax.random.normal(k, shape, dtype=jnp.float32) * 0.02
    return {
        "x": jax.random.normal(ks[0], (1, 2048, D), dtype=jnp.float32),
        "ln1_g": jnp.ones((D,), jnp.float32), "ln1_b": jnp.zeros((D,), jnp.float32),
        "ln2_g": jnp.ones((D,), jnp.float32), "ln2_b": jnp.zeros((D,), jnp.float32),
        "Wq": w(ks[1], (D, D)), "bq": jnp.zeros((D,), jnp.float32),
        "Wk": w(ks[2], (D, D)), "bk": jnp.zeros((D,), jnp.float32),
        "Wv": w(ks[3], (D, D)), "bv": jnp.zeros((D,), jnp.float32),
        "Wo": w(ks[4], (D, D)), "bo": jnp.zeros((D,), jnp.float32),
        "Wr": w(ks[5], (D, E)),
        "W1": w(ks[6], (E, D, F)), "b1": jnp.zeros((E, F), jnp.float32),
        "W2": w(ks[7], (E, F, D)), "b2": jnp.zeros((E, D), jnp.float32),
    }


def _ln(x, g, b):
    m = jnp.mean(x, -1, keepdims=True)
    v = jnp.var(x, -1, keepdims=True)
    return (x - m) * jax.lax.rsqrt(v + 1e-5) * g + b


def reference(x, ln1_g, ln1_b, ln2_g, ln2_b, Wq, bq, Wk, bk, Wv, bv, Wo, bo, Wr, W1, b1, W2, b2):
    B, S, D = x.shape
    H = NUM_HEADS
    dh = D // H
    # attention block: x = attn(pre_norm(x)) + x
    h = _ln(x, ln1_g, ln1_b)
    q = (h @ Wq + bq).reshape(B, S, H, dh).transpose(0, 2, 1, 3)
    k = (h @ Wk + bk).reshape(B, S, H, dh).transpose(0, 2, 1, 3)
    v = (h @ Wv + bv).reshape(B, S, H, dh).transpose(0, 2, 1, 3)
    att = jax.nn.softmax((q @ k.transpose(0, 1, 3, 2)) / jnp.sqrt(jnp.float32(dh)), axis=-1)
    o = (att @ v).transpose(0, 2, 1, 3).reshape(B, S, D)
    x = x + (o @ Wo + bo)
    # TopkMoE on post_norm(x)
    t = _ln(x, ln2_g, ln2_b).reshape(-1, D)
    N = t.shape[0]
    E = NUM_EXPERTS
    logits = t @ Wr
    probs = jax.nn.softmax(logits, axis=-1)
    topv, topi = jax.lax.top_k(probs, TOPK)
    gates = topv / jnp.sum(topv, -1, keepdims=True)
    rows = jnp.arange(N)[:, None]
    combine = jnp.zeros((N, E), jnp.float32).at[rows, topi].add(gates)
    h1 = jax.nn.gelu(jnp.einsum('nd,edf->nef', t, W1) + b1[None], approximate=False)
    eo = jnp.einsum('nef,efd->ned', h1, W2) + b2[None]
    moe = jnp.einsum('ned,ne->nd', eo, combine)
    # load balance loss (switch-style)
    onehot = jnp.zeros((N, E), jnp.float32).at[rows, topi].add(1.0)
    frac = jnp.mean(onehot, 0) / TOPK
    pmean = jnp.mean(probs, 0)
    lb_loss = LB_W * E * jnp.sum(frac * pmean)
    out = x + moe.reshape(B, S, D)
    return (out, lb_loss)

if __name__ == "__main__":
    import jax
    _d = setup_inputs()
    print(jax.jit(kernel)(*tuple(_d.values())))

</pallas_src>

<mosaic_0001>
module attributes {stable_mosaic.version = 14 : i64} {
  func.func @_attn_body(%arg0: i32, %arg1: i32, %arg2: memref<512x768xf32, #tpu.memory_space<vmem>>, %arg3: memref<1x512x64xbf16, #tpu.memory_space<vmem>>, %arg4: memref<1x2048x64xbf16, #tpu.memory_space<vmem>>, %arg5: memref<1x2048x64xbf16, #tpu.memory_space<vmem>>, %arg6: memref<64x768xf32, #tpu.memory_space<vmem>>, %arg7: memref<1x768xf32, #tpu.memory_space<vmem>>, %arg8: memref<1x768xf32, #tpu.memory_space<vmem>>, %arg9: memref<1x768xf32, #tpu.memory_space<vmem>>, %arg10: memref<8x768xf32, #tpu.memory_space<vmem>>, %arg11: memref<512x768xf32, #tpu.memory_space<vmem>>, %arg12: memref<512x768xbf16, #tpu.memory_space<vmem>>, %arg13: memref<8x512xf32, #tpu.memory_space<vmem>>) attributes {dimension_semantics = [#tpu.dimension_semantics<parallel>, #tpu.dimension_semantics<arbitrary>], iteration_bounds = array<i64: 4, 12>, scalar_prefetch = 0 : i64, scratch_operands = 0 : i64, tpu.core_type = #tpu.core_type<tc>, window_params = [{transform_indices = @transform_0, window_bounds = array<i64: 512, 768>}, {transform_indices = @transform_1, window_bounds = array<i64: 1, 512, 64>}, {transform_indices = @transform_2, window_bounds = array<i64: 1, 2048, 64>}, {transform_indices = @transform_3, window_bounds = array<i64: 1, 2048, 64>}, {transform_indices = @transform_4, window_bounds = array<i64: 64, 768>}, {pipeline_mode = #tpu.pipeline_mode<synchronous>, transform_indices = @transform_5, window_bounds = array<i64: 1, 768>}, {pipeline_mode = #tpu.pipeline_mode<synchronous>, transform_indices = @transform_6, window_bounds = array<i64: 1, 768>}, {pipeline_mode = #tpu.pipeline_mode<synchronous>, transform_indices = @transform_7, window_bounds = array<i64: 1, 768>}, {pipeline_mode = #tpu.pipeline_mode<synchronous>, transform_indices = @transform_8, window_bounds = array<i64: 8, 768>}, {transform_indices = @transform_9, window_bounds = array<i64: 512, 768>}, {transform_indices = @transform_10, window_bounds = array<i64: 512, 768>}, {transform_indices = @transform_11, window_bounds = array<i64: 8, 512>}]} {
    %get3A = arith.constant 0 : index
    %get3A_0 = arith.constant 0 : index
    %get3A_1 = arith.constant 0 : index
    %get3A_2 = vector.load %arg3[%get3A, %get3A_0, %get3A_1] : memref<1x512x64xbf16, #tpu.memory_space<vmem>>, vector<1x512x64xbf16>
    %get3A_3 = vector.shape_cast %get3A_2 : vector<1x512x64xbf16> to vector<512x64xbf16>
    %get3A_4 = arith.constant 0 : index
    %get3A_5 = arith.constant 0 : index
    %get3A_6 = arith.constant 0 : index
    %get3A_7 = vector.load %arg4[%get3A_4, %get3A_5, %get3A_6] : memref<1x2048x64xbf16, #tpu.memory_space<vmem>>, vector<1x2048x64xbf16>
    %get3A_8 = vector.shape_cast %get3A_7 : vector<1x2048x64xbf16> to vector<2048x64xbf16>
    %get3A_9 = arith.constant 0 : index
    %get3A_10 = arith.constant 0 : index
    %get3A_11 = arith.constant 0 : index
    %get3A_12 = vector.load %arg5[%get3A_9, %get3A_10, %get3A_11] : memref<1x2048x64xbf16, #tpu.memory_space<vmem>>, vector<1x2048x64xbf16>
    %get3A_13 = vector.shape_cast %get3A_12 : vector<1x2048x64xbf16> to vector<2048x64xbf16>
    %dot_general3A = arith.constant dense<0.000000e+00> : vector<512x2048xf32>
    %dot_general3A_14 = tpu.matmul %get3A_3, %get3A_8, %dot_general3A {dimension_numbers = #tpu.dot_dimension_numbers<[1], [1], [0], [0], [0, 0, 1, 0], [], []>, transpose_lhs_hint = false} : vector<512x64xbf16>, vector<2048x64xbf16>, vector<512x2048xf32> -> vector<512x2048xf32>
    %mul3A = arith.constant 1.250000e-01 : f32
    %mul3A_15 = vector.broadcast %mul3A : f32 to vector<512x2048xf32>
    %mul3A_16 = arith.mulf %dot_general3A_14, %mul3A_15 : vector<512x2048xf32>
    %reduce_max3A = arith.constant dense<0xFF800000> : vector<512xf32>
    %reduce_max3A_17 = vector.multi_reduction <maximumf>, %mul3A_16, %reduce_max3A [1] : vector<512x2048xf32> to vector<512xf32>
    %broadcast_in_dim3A = vector.shape_cast %reduce_max3A_17 : vector<512xf32> to vector<512x1xf32>
    %sub3A = vector.broadcast %broadcast_in_dim3A : vector<512x1xf32> to vector<512x2048xf32>
    %sub3A_18 = arith.subf %mul3A_16, %sub3A : vector<512x2048xf32>
    %exp3A = math.exp %sub3A_18 : vector<512x2048xf32>
    %reduce_sum3A = arith.constant dense<0.000000e+00> : vector<512xf32>
    %reduce_sum3A_19 = vector.multi_reduction <add>, %exp3A, %reduce_sum3A [1] : vector<512x2048xf32> to vector<512xf32>
    %broadcast_in_dim3A_20 = vector.shape_cast %reduce_sum3A_19 : vector<512xf32> to vector<512x1xf32>
    %div3A = vector.broadcast %broadcast_in_dim3A_20 : vector<512x1xf32> to vector<512x2048xf32>
    %div3A_21 = arith.divf %exp3A, %div3A : vector<512x2048xf32>
    %convert_element_type3A = arith.truncf %div3A_21 : vector<512x2048xf32> to vector<512x2048xbf16>
    %dot_general3A_22 = arith.constant dense<0.000000e+00> : vector<512x64xf32>
    %dot_general3A_23 = tpu.matmul %convert_element_type3A, %get3A_13, %dot_general3A_22 {dimension_numbers = #tpu.dot_dimension_numbers<[1], [0], [0], [1], [0, 0, 1, 1], [], []>, transpose_lhs_hint = false} : vector<512x2048xbf16>, vector<2048x64xbf16>, vector<512x64xf32> -> vector<512x64xf32>
    %convert_element_type3A_24 = arith.truncf %dot_general3A_23 : vector<512x64xf32> to vector<512x64xbf16>
    %get3A_25 = arith.constant 0 : index
    %get3A_26 = arith.constant 0 : index
    %get3A_27 = vector.load %arg6[%get3A_25, %get3A_26] : memref<64x768xf32, #tpu.memory_space<vmem>>, vector<64x768xf32>
    %convert_element_type3A_28 = arith.truncf %get3A_27 : vector<64x768xf32> to vector<64x768xbf16>
    %dot_general3A_29 = arith.constant dense<0.000000e+00> : vector<512x768xf32>
    %dot_general3A_30 = tpu.matmul %convert_element_type3A_24, %convert_element_type3A_28, %dot_general3A_29 {dimension_numbers = #tpu.dot_dimension_numbers<[1], [0], [0], [1], [0, 0, 1, 1], [], []>, transpose_lhs_hint = false} : vector<512x64xbf16>, vector<64x768xbf16>, vector<512x768xf32> -> vector<512x768xf32>
    %eq3A = arith.constant 0 : i32
    %eq3A_31 = arith.cmpi eq, %arg1, %eq3A : i32
    %convert_element_type3A_32 = arith.extui %eq3A_31 : i1 to i32
    %cond3A = arith.constant 0 : i32
    %cond3A_33 = arith.cmpi ne, %convert_element_type3A_32, %cond3A : i32
    scf.if %cond3A_33 {
      %get3A_43 = arith.constant 0 : index
      %get3A_44 = arith.constant 0 : index
      %get3A_45 = vector.load %arg2[%get3A_43, %get3A_44] : memref<512x768xf32, #tpu.memory_space<vmem>>, vector<512x768xf32>
      %get3A_46 = arith.constant 0 : index
      %get3A_47 = arith.constant 0 : index
      %get3A_48 = vector.load %arg7[%get3A_46, %get3A_47] : memref<1x768xf32, #tpu.memory_space<vmem>>, vector<1x768xf32>
      %add3A = vector.broadcast %get3A_48 : vector<1x768xf32> to vector<512x768xf32>
      %add3A_49 = arith.addf %get3A_45, %add3A : vector<512x768xf32>
      %add3A_50 = arith.addf %add3A_49, %dot_general3A_30 : vector<512x768xf32>
      %swap3A = arith.constant 0 : index
      %swap3A_51 = arith.constant 0 : index
      %swap3A_52 = vector.load %arg11[%swap3A, %swap3A_51] : memref<512x768xf32, #tpu.memory_space<vmem>>, vector<512x768xf32>
      tpu.vector_store %arg11[%swap3A, %swap3A_51], %add3A_50 {strides = array<i32>} : memref<512x768xf32, #tpu.memory_space<vmem>>, vector<512x768xf32>,
    } else {
    }
    %gt3A = arith.constant 0 : i32
    %gt3A_34 = arith.cmpi sgt, %arg1, %gt3A : i32
    %convert_element_type3A_35 = arith.extui %gt3A_34 : i1 to i32
    %cond3A_36 = arith.constant 0 : i32
    %cond3A_37 = arith.cmpi ne, %convert_element_type3A_35, %cond3A_36 : i32
    scf.if %cond3A_37 {
      %get3A_43 = arith.constant 0 : index
      %get3A_44 = arith.constant 0 : index
      %get3A_45 = vector.load %arg11[%get3A_43, %get3A_44] : memref<512x768xf32, #tpu.memory_space<vmem>>, vector<512x768xf32>
      %add3A = arith.addf %get3A_45, %dot_general3A_30 : vector<512x768xf32>
      %swap3A = arith.constant 0 : index
      %swap3A_46 = arith.constant 0 : index
      %swap3A_47 = vector.load %arg11[%swap3A, %swap3A_46] : memref<512x768xf32, #tpu.memory_space<vmem>>, vector<512x768xf32>
      tpu.vector_store %arg11[%swap3A, %swap3A_46], %add3A {strides = array<i32>} : memref<512x768xf32, #tpu.memory_space<vmem>>, vector<512x768xf32>,
    } else {
    }
    %eq3A_38 = arith.constant 11 : i32
    %eq3A_39 = arith.cmpi eq, %arg1, %eq3A_38 : i32
    %convert_element_type3A_40 = arith.extui %eq3A_39 : i1 to i32
    %cond3A_41 = arith.constant 0 : i32
    %cond3A_42 = arith.cmpi ne, %convert_element_type3A_40, %cond3A_41 : i32
    scf.if %cond3A_42 {
      %get3A_43 = arith.constant 0 : index
      %get3A_44 = arith.constant 0 : index
      %get3A_45 = vector.load %arg11[%get3A_43, %get3A_44] : memref<512x768xf32, #tpu.memory_space<vmem>>, vector<512x768xf32>
      %get3A_46 = arith.constant 0 : index
      %get3A_47 = arith.constant 0 : index
      %get3A_48 = vector.load %arg8[%get3A_46, %get3A_47] : memref<1x768xf32, #tpu.memory_space<vmem>>, vector<1x768xf32>
      %get3A_49 = arith.constant 0 : index
      %get3A_50 = arith.constant 0 : index
      %get3A_51 = vector.load %arg9[%get3A_49, %get3A_50] : memref<1x768xf32, #tpu.memory_space<vmem>>, vector<1x768xf32>
      %reduce_sum3A_52 = arith.constant dense<0.000000e+00> : vector<512xf32>
      %reduce_sum3A_53 = vector.multi_reduction <add>, %get3A_45, %reduce_sum3A_52 [1] : vector<512x768xf32> to vector<512xf32>
      %broadcast_in_dim3A_54 = vector.shape_cast %reduce_sum3A_53 : vector<512xf32> to vector<512x1xf32>
      %div3A_55 = arith.constant 7.680000e+02 : f32
      %div3A_56 = vector.broadcast %div3A_55 : f32 to vector<512x1xf32>
      %div3A_57 = arith.divf %broadcast_in_dim3A_54, %div3A_56 : vector<512x1xf32>
      %sub3A_58 = vector.broadcast %div3A_57 : vector<512x1xf32> to vector<512x768xf32>
      %sub3A_59 = arith.subf %get3A_45, %sub3A_58 : vector<512x768xf32>
      %mul3A_60 = arith.mulf %sub3A_59, %sub3A_59 : vector<512x768xf32>
      %reduce_sum3A_61 = arith.constant dense<0.000000e+00> : vector<512xf32>
      %reduce_sum3A_62 = vector.multi_reduction <add>, %mul3A_60, %reduce_sum3A_61 [1] : vector<512x768xf32> to vector<512xf32>
      %broadcast_in_dim3A_63 = vector.shape_cast %reduce_sum3A_62 : vector<512xf32> to vector<512x1xf32>
      %div3A_64 = arith.constant 7.680000e+02 : f32
      %div3A_65 = vector.broadcast %div3A_64 : f32 to vector<512x1xf32>
      %div3A_66 = arith.divf %broadcast_in_dim3A_63, %div3A_65 : vector<512x1xf32>
      %add3A = arith.constant 9.99999974E-6 : f32
      %add3A_67 = vector.broadcast %add3A : f32 to vector<512x1xf32>
      %add3A_68 = arith.addf %div3A_66, %add3A_67 : vector<512x1xf32>
      %rsqrt3A = math.rsqrt %add3A_68 : vector<512x1xf32>
      %mul3A_69 = vector.broadcast %rsqrt3A : vector<512x1xf32> to vector<512x768xf32>
      %mul3A_70 = arith.mulf %sub3A_59, %mul3A_69 : vector<512x768xf32>
      %mul3A_71 = vector.broadcast %get3A_48 : vector<1x768xf32> to vector<512x768xf32>
      %mul3A_72 = arith.mulf %mul3A_70, %mul3A_71 : vector<512x768xf32>
      %add3A_73 = vector.broadcast %get3A_51 : vector<1x768xf32> to vector<512x768xf32>
      %add3A_74 = arith.addf %mul3A_72, %add3A_73 : vector<512x768xf32>
      %convert_element_type3A_75 = arith.truncf %add3A_74 : vector<512x768xf32> to vector<512x768xbf16>
      %swap3A = arith.constant 0 : index
      %swap3A_76 = arith.constant 0 : index
      %swap3A_77 = vector.load %arg12[%swap3A, %swap3A_76] : memref<512x768xbf16, #tpu.memory_space<vmem>>, vector<512x768xbf16>
      tpu.vector_store %arg12[%swap3A, %swap3A_76], %convert_element_type3A_75 {strides = array<i32>} : memref<512x768xbf16, #tpu.memory_space<vmem>>, vector<512x768xbf16>,
      %get3A_78 = arith.constant 0 : index
      %get3A_79 = arith.constant 0 : index
      %get3A_80 = vector.load %arg10[%get3A_78, %get3A_79] : memref<8x768xf32, #tpu.memory_space<vmem>>, vector<8x768xf32>
      %dot_general3A_81 = arith.constant dense<0.000000e+00> : vector<8x512xf32>
      %dot_general3A_82 = tpu.matmul %get3A_80, %add3A_74, %dot_general3A_81 {dimension_numbers = #tpu.dot_dimension_numbers<[1], [1], [0], [0], [0, 0, 1, 0], [], []>, transpose_lhs_hint = false} : vector<8x768xf32>, vector<512x768xf32>, vector<8x512xf32> -> vector<8x512xf32>
      %swap3A_83 = arith.constant 0 : index
      %swap3A_84 = arith.constant 0 : index
      %swap3A_85 = vector.load %arg13[%swap3A_83, %swap3A_84] : memref<8x512xf32, #tpu.memory_space<vmem>>, vector<8x512xf32>
      tpu.vector_store %arg13[%swap3A_83, %swap3A_84], %dot_general3A_82 {strides = array<i32>} : memref<8x512xf32, #tpu.memory_space<vmem>>, vector<8x512xf32>,
    } else {
    }
    return
  }
  func.func @transform_0(%arg0: i32, %arg1: i32) -> (i32, i32) {
    %c0_i32 = arith.constant 0 : i32
    %c0_i32_0 = arith.constant 0 : i32
    return %arg0, %c0_i32 : i32, i32
  }
  func.func @transform_1(%arg0: i32, %arg1: i32) -> (i32, i32, i32) {
    %c0_i32 = arith.constant 0 : i32
    %c0_i32_0 = arith.constant 0 : i32
    return %arg1, %arg0, %c0_i32 : i32, i32, i32
  }
  func.func @transform_2(%arg0: i32, %arg1: i32) -> (i32, i32, i32) {
    %c0_i32 = arith.constant 0 : i32
    %c0_i32_0 = arith.constant 0 : i32
    %c0_i32_1 = arith.constant 0 : i32
    return %arg1, %c0_i32, %c0_i32_0 : i32, i32, i32
  }
  func.func @transform_3(%arg0: i32, %arg1: i32) -> (i32, i32, i32) {
    %c0_i32 = arith.constant 0 : i32
    %c0_i32_0 = arith.constant 0 : i32
    %c0_i32_1 = arith.constant 0 : i32
    return %arg1, %c0_i32, %c0_i32_0 : i32, i32, i32
  }
  func.func @transform_4(%arg0: i32, %arg1: i32) -> (i32, i32) {
    %c0_i32 = arith.constant 0 : i32
    %c0_i32_0 = arith.constant 0 : i32
    return %arg1, %c0_i32 : i32, i32
  }
  func.func @transform_5(%arg0: i32, %arg1: i32) -> (i32, i32) {
    %c0_i32 = arith.constant 0 : i32
    %c0_i32_0 = arith.constant 0 : i32
    %c0_i32_1 = arith.constant 0 : i32
    return %c0_i32, %c0_i32_0 : i32, i32
  }
  func.func @transform_6(%arg0: i32, %arg1: i32) -> (i32, i32) {
    %c0_i32 = arith.constant 0 : i32
    %c0_i32_0 = arith.constant 0 : i32
    %c0_i32_1 = arith.constant 0 : i32
    return %c0_i32, %c0_i32_0 : i32, i32
  }
  func.func @transform_7(%arg0: i32, %arg1: i32) -> (i32, i32) {
    %c0_i32 = arith.constant 0 : i32
    %c0_i32_0 = arith.constant 0 : i32
    %c0_i32_1 = arith.constant 0 : i32
    return %c0_i32, %c0_i32_0 : i32, i32
  }
  func.func @transform_8(%arg0: i32, %arg1: i32) -> (i32, i32) {
    %c0_i32 = arith.constant 0 : i32
    %c0_i32_0 = arith.constant 0 : i32
    %c0_i32_1 = arith.constant 0 : i32
    return %c0_i32, %c0_i32_0 : i32, i32
  }
  func.func @transform_9(%arg0: i32, %arg1: i32) -> (i32, i32) {
    %c0_i32 = arith.constant 0 : i32
    %c0_i32_0 = arith.constant 0 : i32
    return %arg0, %c0_i32 : i32, i32
  }
  func.func @transform_10(%arg0: i32, %arg1: i32) -> (i32, i32) {
    %c0_i32 = arith.constant 0 : i32
    %c0_i32_0 = arith.constant 0 : i32
    return %arg0, %c0_i32 : i32, i32
  }
  func.func @transform_11(%arg0: i32, %arg1: i32) -> (i32, i32) {
    %c0_i32 = arith.constant 0 : i32
    %c0_i32_0 = arith.constant 0 : i32
    return %c0_i32, %arg0 : i32, i32
  }
}

module attributes {stable_mosaic.version = 14 : i64} {
  func.func @_qkv_body(%arg0: i32, %arg1: memref<512x768xf32, #tpu.memory_space<vmem>>, %arg2: memref<1x768xf32, #tpu.memory_space<vmem>>, %arg3: memref<1x768xf32, #tpu.memory_space<vmem>>, %arg4: memref<768x768xf32, #tpu.memory_space<vmem>>, %arg5: memref<1x768xf32, #tpu.memory_space<vmem>>, %arg6: memref<768x768xf32, #tpu.memory_space<vmem>>, %arg7: memref<1x768xf32, #tpu.memory_space<vmem>>, %arg8: memref<768x768xf32, #tpu.memory_space<vmem>>, %arg9: memref<1x768xf32, #tpu.memory_space<vmem>>, %arg10: memref<12x512x64xbf16, #tpu.memory_space<vmem>>, %arg11: memref<12x512x64xbf16, #tpu.memory_space<vmem>>, %arg12: memref<12x512x64xbf16, #tpu.memory_space<vmem>>) attributes {dimension_semantics = [#tpu.dimension_semantics<parallel>], iteration_bounds = array<i64: 4>, scalar_prefetch = 0 : i64, scratch_operands = 0 : i64, tpu.core_type = #tpu.core_type<tc>, window_params = [{transform_indices = @transform_0, window_bounds = array<i64: 512, 768>}, {pipeline_mode = #tpu.pipeline_mode<synchronous>, transform_indices = @transform_1, window_bounds = array<i64: 1, 768>}, {pipeline_mode = #tpu.pipeline_mode<synchronous>, transform_indices = @transform_2, window_bounds = array<i64: 1, 768>}, {pipeline_mode = #tpu.pipeline_mode<synchronous>, transform_indices = @transform_3, window_bounds = array<i64: 768, 768>}, {pipeline_mode = #tpu.pipeline_mode<synchronous>, transform_indices = @transform_4, window_bounds = array<i64: 1, 768>}, {pipeline_mode = #tpu.pipeline_mode<synchronous>, transform_indices = @transform_5, window_bounds = array<i64: 768, 768>}, {pipeline_mode = #tpu.pipeline_mode<synchronous>, transform_indices = @transform_6, window_bounds = array<i64: 1, 768>}, {pipeline_mode = #tpu.pipeline_mode<synchronous>, transform_indices = @transform_7, window_bounds = array<i64: 768, 768>}, {pipeline_mode = #tpu.pipeline_mode<synchronous>, transform_indices = @transform_8, window_bounds = array<i64: 1, 768>}, {transform_indices = @transform_9, window_bounds = array<i64: 12, 512, 64>}, {transform_indices = @transform_10, window_bounds = array<i64: 12, 512, 64>}, {transform_indices = @transform_11, window_bounds = array<i64: 12, 512, 64>}]} {
    %get3A = arith.constant 0 : index
    %get3A_0 = arith.constant 0 : index
    %get3A_1 = vector.load %arg1[%get3A, %get3A_0] : memref<512x768xf32, #tpu.memory_space<vmem>>, vector<512x768xf32>
    %get3A_2 = arith.constant 0 : index
    %get3A_3 = arith.constant 0 : index
    %get3A_4 = vector.load %arg2[%get3A_2, %get3A_3] : memref<1x768xf32, #tpu.memory_space<vmem>>, vector<1x768xf32>
    %get3A_5 = arith.constant 0 : index
    %get3A_6 = arith.constant 0 : index
    %get3A_7 = vector.load %arg3[%get3A_5, %get3A_6] : memref<1x768xf32, #tpu.memory_space<vmem>>, vector<1x768xf32>
    %reduce_sum3A = arith.constant dense<0.000000e+00> : vector<512xf32>
    %reduce_sum3A_8 = vector.multi_reduction <add>, %get3A_1, %reduce_sum3A [1] : vector<512x768xf32> to vector<512xf32>
    %broadcast_in_dim3A = vector.shape_cast %reduce_sum3A_8 : vector<512xf32> to vector<512x1xf32>
    %div3A = arith.constant 7.680000e+02 : f32
    %div3A_9 = vector.broadcast %div3A : f32 to vector<512x1xf32>
    %div3A_10 = arith.divf %broadcast_in_dim3A, %div3A_9 : vector<512x1xf32>
    %sub3A = vector.broadcast %div3A_10 : vector<512x1xf32> to vector<512x768xf32>
    %sub3A_11 = arith.subf %get3A_1, %sub3A : vector<512x768xf32>
    %mul3A = arith.mulf %sub3A_11, %sub3A_11 : vector<512x768xf32>
    %reduce_sum3A_12 = arith.constant dense<0.000000e+00> : vector<512xf32>
    %reduce_sum3A_13 = vector.multi_reduction <add>, %mul3A, %reduce_sum3A_12 [1] : vector<512x768xf32> to vector<512xf32>
    %broadcast_in_dim3A_14 = vector.shape_cast %reduce_sum3A_13 : vector<512xf32> to vector<512x1xf32>
    %div3A_15 = arith.constant 7.680000e+02 : f32
    %div3A_16 = vector.broadcast %div3A_15 : f32 to vector<512x1xf32>
    %div3A_17 = arith.divf %broadcast_in_dim3A_14, %div3A_16 : vector<512x1xf32>
    %add3A = arith.constant 9.99999974E-6 : f32
    %add3A_18 = vector.broadcast %add3A : f32 to vector<512x1xf32>
    %add3A_19 = arith.addf %div3A_17, %add3A_18 : vector<512x1xf32>
    %rsqrt3A = math.rsqrt %add3A_19 : vector<512x1xf32>
    %mul3A_20 = vector.broadcast %rsqrt3A : vector<512x1xf32> to vector<512x768xf32>
    %mul3A_21 = arith.mulf %sub3A_11, %mul3A_20 : vector<512x768xf32>
    %mul3A_22 = vector.broadcast %get3A_4 : vector<1x768xf32> to vector<512x768xf32>
    %mul3A_23 = arith.mulf %mul3A_21, %mul3A_22 : vector<512x768xf32>
    %add3A_24 = vector.broadcast %get3A_7 : vector<1x768xf32> to vector<512x768xf32>
    %add3A_25 = arith.addf %mul3A_23, %add3A_24 : vector<512x768xf32>
    %convert_element_type3A = arith.truncf %add3A_25 : vector<512x768xf32> to vector<512x768xbf16>
    %get3A_26 = arith.constant 0 : index
    %get3A_27 = arith.constant 0 : index
    %get3A_28 = vector.load %arg4[%get3A_26, %get3A_27] : memref<768x768xf32, #tpu.memory_space<vmem>>, vector<768x768xf32>
    %convert_element_type3A_29 = arith.truncf %get3A_28 : vector<768x768xf32> to vector<768x768xbf16>
    %dot_general3A = arith.constant dense<0.000000e+00> : vector<512x768xf32>
    %dot_general3A_30 = tpu.matmul %convert_element_type3A, %convert_element_type3A_29, %dot_general3A {dimension_numbers = #tpu.dot_dimension_numbers<[1], [0], [0], [1], [0, 0, 1, 1], [], []>, transpose_lhs_hint = false} : vector<512x768xbf16>, vector<768x768xbf16>, vector<512x768xf32> -> vector<512x768xf32>
    %get3A_31 = arith.constant 0 : index
    %get3A_32 = arith.constant 0 : index
    %get3A_33 = vector.load %arg5[%get3A_31, %get3A_32] : memref<1x768xf32, #tpu.memory_space<vmem>>, vector<1x768xf32>
    %add3A_34 = vector.broadcast %get3A_33 : vector<1x768xf32> to vector<512x768xf32>
    %add3A_35 = arith.addf %dot_general3A_30, %add3A_34 : vector<512x768xf32>
    %convert_element_type3A_36 = arith.truncf %add3A_35 : vector<512x768xf32> to vector<512x768xbf16>
    %slice3A = vector.extract_strided_slice %convert_element_type3A_36 {offsets = [0, 0], sizes = [512, 64], strides = [1, 1]} : vector<512x768xbf16> to vector<512x64xbf16>
    %swap3A = arith.constant 0 : index
    %swap3A_37 = arith.constant 0 : index
    %swap3A_38 = arith.constant 0 : index
    %swap3A_39 = vector.load %arg10[%swap3A, %swap3A_37, %swap3A_38] : memref<12x512x64xbf16, #tpu.memory_space<vmem>>, vector<1x512x64xbf16>
    %swap3A_40 = vector.shape_cast %swap3A_39 : vector<1x512x64xbf16> to vector<512x64xbf16>
    %swap3A_41 = vector.shape_cast %slice3A : vector<512x64xbf16> to vector<1x512x64xbf16>
    tpu.vector_store %arg10[%swap3A, %swap3A_37, %swap3A_38], %swap3A_41 {strides = array<i32>} : memref<12x512x64xbf16, #tpu.memory_space<vmem>>, vector<1x512x64xbf16>,
    %slice3A_42 = vector.extract_strided_slice %convert_element_type3A_36 {offsets = [0, 64], sizes = [512, 64], strides = [1, 1]} : vector<512x768xbf16> to vector<512x64xbf16>
    %swap3A_43 = arith.constant 1 : index
    %swap3A_44 = arith.constant 0 : index
    %swap3A_45 = arith.constant 0 : index
    %swap3A_46 = vector.load %arg10[%swap3A_43, %swap3A_44, %swap3A_45] : memref<12x512x64xbf16, #tpu.memory_space<vmem>>, vector<1x512x64xbf16>
    %swap3A_47 = vector.shape_cast %swap3A_46 : vector<1x512x64xbf16> to vector<512x64xbf16>
    %swap3A_48 = vector.shape_cast %slice3A_42 : vector<512x64xbf16> to vector<1x512x64xbf16>
    tpu.vector_store %arg10[%swap3A_43, %swap3A_44, %swap3A_45], %swap3A_48 {strides = array<i32>} : memref<12x512x64xbf16, #tpu.memory_space<vmem>>, vector<1x512x64xbf16>,
    %slice3A_49 = vector.extract_strided_slice %convert_element_type3A_36 {offsets = [0, 128], sizes = [512, 64], strides = [1, 1]} : vector<512x768xbf16> to vector<512x64xbf16>
    %swap3A_50 = arith.constant 2 : index
    %swap3A_51 = arith.constant 0 : index
    %swap3A_52 = arith.constant 0 : index
    %swap3A_53 = vector.load %arg10[%swap3A_50, %swap3A_51, %swap3A_52] : memref<12x512x64xbf16, #tpu.memory_space<vmem>>, vector<1x512x64xbf16>
    %swap3A_54 = vector.shape_cast %swap3A_53 : vector<1x512x64xbf16> to vector<512x64xbf16>
    %swap3A_55 = vector.shape_cast %slice3A_49 : vector<512x64xbf16> to vector<1x512x64xbf16>
    tpu.vector_store %arg10[%swap3A_50, %swap3A_51, %swap3A_52], %swap3A_55 {strides = array<i32>} : memref<12x512x64xbf16, #tpu.memory_space<vmem>>, vector<1x512x64xbf16>,
    %slice3A_56 = vector.extract_strided_slice %convert_element_type3A_36 {offsets = [0, 192], sizes = [512, 64], strides = [1, 1]} : vector<512x768xbf16> to vector<512x64xbf16>
    %swap3A_57 = arith.constant 3 : index
    %swap3A_58 = arith.constant 0 : index
    %swap3A_59 = arith.constant 0 : index
    %swap3A_60 = vector.load %arg10[%swap3A_57, %swap3A_58, %swap3A_59] : memref<12x512x64xbf16, #tpu.memory_space<vmem>>, vector<1x512x64xbf16>
    %swap3A_61 = vector.shape_cast %swap3A_60 : vector<1x512x64xbf16> to vector<512x64xbf16>
    %swap3A_62 = vector.shape_cast %slice3A_56 : vector<512x64xbf16> to vector<1x512x64xbf16>
    tpu.vector_store %arg10[%swap3A_57, %swap3A_58, %swap3A_59], %swap3A_62 {strides = array<i32>} : memref<12x512x64xbf16, #tpu.memory_space<vmem>>, vector<1x512x64xbf16>,
    %slice3A_63 = vector.extract_strided_slice %convert_element_type3A_36 {offsets = [0, 256], sizes = [512, 64], strides = [1, 1]} : vector<512x768xbf16> to vector<512x64xbf16>
    %swap3A_64 = arith.constant 4 : index
    %swap3A_65 = arith.constant 0 : index
    %swap3A_66 = arith.constant 0 : index
    %swap3A_67 = vector.load %arg10[%swap3A_64, %swap3A_65, %swap3A_66] : memref<12x512x64xbf16, #tpu.memory_space<vmem>>, vector<1x512x64xbf16>
    %swap3A_68 = vector.shape_cast %swap3A_67 : vector<1x512x64xbf16> to vector<512x64xbf16>
    %swap3A_69 = vector.shape_cast %slice3A_63 : vector<512x64xbf16> to vector<1x512x64xbf16>
    tpu.vector_store %arg10[%swap3A_64, %swap3A_65, %swap3A_66], %swap3A_69 {strides = array<i32>} : memref<12x512x64xbf16, #tpu.memory_space<vmem>>, vector<1x512x64xbf16>,
    %slice3A_70 = vector.extract_strided_slice %convert_element_type3A_36 {offsets = [0, 320], sizes = [512, 64], strides = [1, 1]} : vector<512x768xbf16> to vector<512x64xbf16>
    %swap3A_71 = arith.constant 5 : index
    %swap3A_72 = arith.constant 0 : index
    %swap3A_73 = arith.constant 0 : index
    %swap3A_74 = vector.load %arg10[%swap3A_71, %swap3A_72, %swap3A_73] : memref<12x512x64xbf16, #tpu.memory_space<vmem>>, vector<1x512x64xbf16>
    %swap3A_75 = vector.shape_cast %swap3A_74 : vector<1x512x64xbf16> to vector<512x64xbf16>
    %swap3A_76 = vector.shape_cast %slice3A_70 : vector<512x64xbf16> to vector<1x512x64xbf16>
    tpu.vector_store %arg10[%swap3A_71, %swap3A_72, %swap3A_73], %swap3A_76 {strides = array<i32>} : memref<12x512x64xbf16, #tpu.memory_space<vmem>>, vector<1x512x64xbf16>,
    %slice3A_77 = vector.extract_strided_slice %convert_element_type3A_36 {offsets = [0, 384], sizes = [512, 64], strides = [1, 1]} : vector<512x768xbf16> to vector<512x64xbf16>
    %swap3A_78 = arith.constant 6 : index
    %swap3A_79 = arith.constant 0 : index
    %swap3A_80 = arith.constant 0 : index
    %swap3A_81 = vector.load %arg10[%swap3A_78, %swap3A_79, %swap3A_80] : memref<12x512x64xbf16, #tpu.memory_space<vmem>>, vector<1x512x64xbf16>
    %swap3A_82 = vector.shape_cast %swap3A_81 : vector<1x512x64xbf16> to vector<512x64xbf16>
    %swap3A_83 = vector.shape_cast %slice3A_77 : vector<512x64xbf16> to vector<1x512x64xbf16>
    tpu.vector_store %arg10[%swap3A_78, %swap3A_79, %swap3A_80], %swap3A_83 {strides = array<i32>} : memref<12x512x64xbf16, #tpu.memory_space<vmem>>, vector<1x512x64xbf16>,
    %slice3A_84 = vector.extract_strided_slice %convert_element_type3A_36 {offsets = [0, 448], sizes = [512, 64], strides = [1, 1]} : vector<512x768xbf16> to vector<512x64xbf16>
    %swap3A_85 = arith.constant 7 : index
    %swap3A_86 = arith.constant 0 : index
    %swap3A_87 = arith.constant 0 : index
    %swap3A_88 = vector.load %arg10[%swap3A_85, %swap3A_86, %swap3A_87] : memref<12x512x64xbf16, #tpu.memory_space<vmem>>, vector<1x512x64xbf16>
    %swap3A_89 = vector.shape_cast %swap3A_88 : vector<1x512x64xbf16> to vector<512x64xbf16>
    %swap3A_90 = vector.shape_cast %slice3A_84 : vector<512x64xbf16> to vector<1x512x64xbf16>
    tpu.vector_store %arg10[%swap3A_85, %swap3A_86, %swap3A_87], %swap3A_90 {strides = array<i32>} : memref<12x512x64xbf16, #tpu.memory_space<vmem>>, vector<1x512x64xbf16>,
    %slice3A_91 = vector.extract_strided_slice %convert_element_type3A_36 {offsets = [0, 512], sizes = [512, 64], strides = [1, 1]} : vector<512x768xbf16> to vector<512x64xbf16>
    %swap3A_92 = arith.constant 8 : index
    %swap3A_93 = arith.constant 0 : index
    %swap3A_94 = arith.constant 0 : index
    %swap3A_95 = vector.load %arg10[%swap3A_92, %swap3A_93, %swap3A_94] : memref<12x512x64xbf16, #tpu.memory_space<vmem>>, vector<1x512x64xbf16>
    %swap3A_96 = vector.shape_cast %swap3A_95 : vector<1x512x64xbf16> to vector<512x64xbf16>
    %swap3A_97 = vector.shape_cast %slice3A_91 : vector<512x64xbf16> to vector<1x512x64xbf16>
    tpu.vector_store %arg10[%swap3A_92, %swap3A_93, %swap3A_94], %swap3A_97 {strides = array<i32>} : memref<12x512x64xbf16, #tpu.memory_space<vmem>>, vector<1x512x64xbf16>,
    %slice3A_98 = vector.extract_strided_slice %convert_element_type3A_36 {offsets = [0, 576], sizes = [512, 64], strides = [1, 1]} : vector<512x768xbf16> to vector<512x64xbf16>
    %swap3A_99 = arith.constant 9 : index
    %swap3A_100 = arith.constant 0 : index
    %swap3A_101 = arith.constant 0 : index
    %swap3A_102 = vector.load %arg10[%swap3A_99, %swap3A_100, %swap3A_101] : memref<12x512x64xbf16, #tpu.memory_space<vmem>>, vector<1x512x64xbf16>
    %swap3A_103 = vector.shape_cast %swap3A_102 : vector<1x512x64xbf16> to vector<512x64xbf16>
    %swap3A_104 = vector.shape_cast %slice3A_98 : vector<512x64xbf16> to vector<1x512x64xbf16>
    tpu.vector_store %arg10[%swap3A_99, %swap3A_100, %swap3A_101], %swap3A_104 {strides = array<i32>} : memref<12x512x64xbf16, #tpu.memory_space<vmem>>, vector<1x512x64xbf16>,
    %slice3A_105 = vector.extract_strided_slice %convert_element_type3A_36 {offsets = [0, 640], sizes = [512, 64], strides = [1, 1]} : vector<512x768xbf16> to vector<512x64xbf16>
    %swap3A_106 = arith.constant 10 : index
    %swap3A_107 = arith.constant 0 : index
    %swap3A_108 = arith.constant 0 : index
    %swap3A_109 = vector.load %arg10[%swap3A_106, %swap3A_107, %swap3A_108] : memref<12x512x64xbf16, #tpu.memory_space<vmem>>, vector<1x512x64xbf16>
    %swap3A_110 = vector.shape_cast %swap3A_109 : vector<1x512x64xbf16> to vector<512x64xbf16>
    %swap3A_111 = vector.shape_cast %slice3A_105 : vector<512x64xbf16> to vector<1x512x64xbf16>
    tpu.vector_store %arg10[%swap3A_106, %swap3A_107, %swap3A_108], %swap3A_111 {strides = array<i32>} : memref<12x512x64xbf16, #tpu.memory_space<vmem>>, vector<1x512x64xbf16>,
    %slice3A_112 = vector.extract_strided_slice %convert_element_type3A_36 {offsets = [0, 704], sizes = [512, 64], strides = [1, 1]} : vector<512x768xbf16> to vector<512x64xbf16>
    %swap3A_113 = arith.constant 11 : index
    %swap3A_114 = arith.constant 0 : index
    %swap3A_115 = arith.constant 0 : index
    %swap3A_116 = vector.load %arg10[%swap3A_113, %swap3A_114, %swap3A_115] : memref<12x512x64xbf16, #tpu.memory_space<vmem>>, vector<1x512x64xbf16>
    %swap3A_117 = vector.shape_cast %swap3A_116 : vector<1x512x64xbf16> to vector<512x64xbf16>
    %swap3A_118 = vector.shape_cast %slice3A_112 : vector<512x64xbf16> to vector<1x512x64xbf16>
    tpu.vector_store %arg10[%swap3A_113, %swap3A_114, %swap3A_115], %swap3A_118 {strides = array<i32>} : memref<12x512x64xbf16, #tpu.memory_space<vmem>>, vector<1x512x64xbf16>,
    %get3A_119 = arith.constant 0 : index
    %get3A_120 = arith.constant 0 : index
    %get3A_121 = vector.load %arg6[%get3A_119, %get3A_120] : memref<768x768xf32, #tpu.memory_space<vmem>>, vector<768x768xf32>
    %convert_element_type3A_122 = arith.truncf %get3A_121 : vector<768x768xf32> to vector<768x768xbf16>
    %dot_general3A_123 = arith.constant dense<0.000000e+00> : vector<512x768xf32>
    %dot_general3A_124 = tpu.matmul %convert_element_type3A, %convert_element_type3A_122, %dot_general3A_123 {dimension_numbers = #tpu.dot_dimension_numbers<[1], [0], [0], [1], [0, 0, 1, 1], [], []>, transpose_lhs_hint = false} : vector<512x768xbf16>, vector<768x768xbf16>, vector<512x768xf32> -> vector<512x768xf32>
    %get3A_125 = arith.constant 0 : index
    %get3A_126 = arith.constant 0 : index
    %get3A_127 = vector.load %arg7[%get3A_125, %get3A_126] : memref<1x768xf32, #tpu.memory_space<vmem>>, vector<1x768xf32>
    %add3A_128 = vector.broadcast %get3A_127 : vector<1x768xf32> to vector<512x768xf32>
    %add3A_129 = arith.addf %dot_general3A_124, %add3A_128 : vector<512x768xf32>
    %convert_element_type3A_130 = arith.truncf %add3A_129 : vector<512x768xf32> to vector<512x768xbf16>
    %slice3A_131 = vector.extract_strided_slice %convert_element_type3A_130 {offsets = [0, 0], sizes = [512, 64], strides = [1, 1]} : vector<512x768xbf16> to vector<512x64xbf16>
    %swap3A_132 = arith.constant 0 : index
    %swap3A_133 = arith.constant 0 : index
    %swap3A_134 = arith.constant 0 : index
    %swap3A_135 = vector.load %arg11[%swap3A_132, %swap3A_133, %swap3A_134] : memref<12x512x64xbf16, #tpu.memory_space<vmem>>, vector<1x512x64xbf16>
    %swap3A_136 = vector.shape_cast %swap3A_135 : vector<1x512x64xbf16> to vector<512x64xbf16>
    %swap3A_137 = vector.shape_cast %slice3A_131 : vector<512x64xbf16> to vector<1x512x64xbf16>
    tpu.vector_store %arg11[%swap3A_132, %swap3A_133, %swap3A_134], %swap3A_137 {strides = array<i32>} : memref<12x512x64xbf16, #tpu.memory_space<vmem>>, vector<1x512x64xbf16>,
    %slice3A_138 = vector.extract_strided_slice %convert_element_type3A_130 {offsets = [0, 64], sizes = [512, 64], strides = [1, 1]} : vector<512x768xbf16> to vector<512x64xbf16>
    %swap3A_139 = arith.constant 1 : index
    %swap3A_140 = arith.constant 0 : index
    %swap3A_141 = arith.constant 0 : index
    %swap3A_142 = vector.load %arg11[%swap3A_139, %swap3A_140, %swap3A_141] : memref<12x512x64xbf16, #tpu.memory_space<vmem>>, vector<1x512x64xbf16>
    %swap3A_143 = vector.shape_cast %swap3A_142 : vector<1x512x64xbf16> to vector<512x64xbf16>
    %swap3A_144 = vector.shape_cast %slice3A_138 : vector<512x64xbf16> to vector<1x512x64xbf16>
    tpu.vector_store %arg11[%swap3A_139, %swap3A_140, %swap3A_141], %swap3A_144 {strides = array<i32>} : memref<12x512x64xbf16, #tpu.memory_space<vmem>>, vector<1x512x64xbf16>,
    %slice3A_145 = vector.extract_strided_slice %convert_element_type3A_130 {offsets = [0, 128], sizes = [512, 64], strides = [1, 1]} : vector<512x768xbf16> to vector<512x64xbf16>
    %swap3A_146 = arith.constant 2 : index
    %swap3A_147 = arith.constant 0 : index
    %swap3A_148 = arith.constant 0 : index
    %swap3A_149 = vector.load %arg11[%swap3A_146, %swap3A_147, %swap3A_148] : memref<12x512x64xbf16, #tpu.memory_space<vmem>>, vector<1x512x64xbf16>
    %swap3A_150 = vector.shape_cast %swap3A_149 : vector<1x512x64xbf16> to vector<512x64xbf16>
    %swap3A_151 = vector.shape_cast %slice3A_145 : vector<512x64xbf16> to vector<1x512x64xbf16>
    tpu.vector_store %arg11[%swap3A_146, %swap3A_147, %swap3A_148], %swap3A_151 {strides = array<i32>} : memref<12x512x64xbf16, #tpu.memory_space<vmem>>, vector<1x512x64xbf16>,
    %slice3A_152 = vector.extract_strided_slice %convert_element_type3A_130 {offsets = [0, 192], sizes = [512, 64], strides = [1, 1]} : vector<512x768xbf16> to vector<512x64xbf16>
    %swap3A_153 = arith.constant 3 : index
    %swap3A_154 = arith.constant 0 : index
    %swap3A_155 = arith.constant 0 : index
    %swap3A_156 = vector.load %arg11[%swap3A_153, %swap3A_154, %swap3A_155] : memref<12x512x64xbf16, #tpu.memory_space<vmem>>, vector<1x512x64xbf16>
    %swap3A_157 = vector.shape_cast %swap3A_156 : vector<1x512x64xbf16> to vector<512x64xbf16>
    %swap3A_158 = vector.shape_cast %slice3A_152 : vector<512x64xbf16> to vector<1x512x64xbf16>
    tpu.vector_store %arg11[%swap3A_153, %swap3A_154, %swap3A_155], %swap3A_158 {strides = array<i32>} : memref<12x512x64xbf16, #tpu.memory_space<vmem>>, vector<1x512x64xbf16>,
    %slice3A_159 = vector.extract_strided_slice %convert_element_type3A_130 {offsets = [0, 256], sizes = [512, 64], strides = [1, 1]} : vector<512x768xbf16> to vector<512x64xbf16>
    %swap3A_160 = arith.constant 4 : index
    %swap3A_161 = arith.constant 0 : index
    %swap3A_162 = arith.constant 0 : index
    %swap3A_163 = vector.load %arg11[%swap3A_160, %swap3A_161, %swap3A_162] : memref<12x512x64xbf16, #tpu.memory_space<vmem>>, vector<1x512x64xbf16>
    %swap3A_164 = vector.shape_cast %swap3A_163 : vector<1x512x64xbf16> to vector<512x64xbf16>
    %swap3A_165 = vector.shape_cast %slice3A_159 : vector<512x64xbf16> to vector<1x512x64xbf16>
    tpu.vector_store %arg11[%swap3A_160, %swap3A_161, %swap3A_162], %swap3A_165 {strides = array<i32>} : memref<12x512x64xbf16, #tpu.memory_space<vmem>>, vector<1x512x64xbf16>,
    %slice3A_166 = vector.extract_strided_slice %convert_element_type3A_130 {offsets = [0, 320], sizes = [512, 64], strides = [1, 1]} : vector<512x768xbf16> to vector<512x64xbf16>
    %swap3A_167 = arith.constant 5 : index
    %swap3A_168 = arith.constant 0 : index
    %swap3A_169 = arith.constant 0 : index
    %swap3A_170 = vector.load %arg11[%swap3A_167, %swap3A_168, %swap3A_169] : memref<12x512x64xbf16, #tpu.memory_space<vmem>>, vector<1x512x64xbf16>
    %swap3A_171 = vector.shape_cast %swap3A_170 : vector<1x512x64xbf16> to vector<512x64xbf16>
    %swap3A_172 = vector.shape_cast %slice3A_166 : vector<512x64xbf16> to vector<1x512x64xbf16>
    tpu.vector_store %arg11[%swap3A_167, %swap3A_168, %swap3A_169], %swap3A_172 {strides = array<i32>} : memref<12x512x64xbf16, #tpu.memory_space<vmem>>, vector<1x512x64xbf16>,
    %slice3A_173 = vector.extract_strided_slice %convert_element_type3A_130 {offsets = [0, 384], sizes = [512, 64], strides = [1, 1]} : vector<512x768xbf16> to vector<512x64xbf16>
    %swap3A_174 = arith.constant 6 : index
    %swap3A_175 = arith.constant 0 : index
    %swap3A_176 = arith.constant 0 : index
    %swap3A_177 = vector.load %arg11[%swap3A_174, %swap3A_175, %swap3A_176] : memref<12x512x64xbf16, #tpu.memory_space<vmem>>, vector<1x512x64xbf16>
    %swap3A_178 = vector.shape_cast %swap3A_177 : vector<1x512x64xbf16> to vector<512x64xbf16>
    %swap3A_179 = vector.shape_cast %slice3A_173 : vector<512x64xbf16> to vector<1x512x64xbf16>
    tpu.vector_store %arg11[%swap3A_174, %swap3A_175, %swap3A_176], %swap3A_179 {strides = array<i32>} : memref<12x512x64xbf16, #tpu.memory_space<vmem>>, vector<1x512x64xbf16>,
    %slice3A_180 = vector.extract_strided_slice %convert_element_type3A_130 {offsets = [0, 448], sizes = [512, 64], strides = [1, 1]} : vector<512x768xbf16> to vector<512x64xbf16>
    %swap3A_181 = arith.constant 7 : index
    %swap3A_182 = arith.constant 0 : index
    %swap3A_183 = arith.constant 0 : index
    %swap3A_184 = vector.load %arg11[%swap3A_181, %swap3A_182, %swap3A_183] : memref<12x512x64xbf16, #tpu.memory_space<vmem>>, vector<1x512x64xbf16>
    %swap3A_185 = vector.shape_cast %swap3A_184 : vector<1x512x64xbf16> to vector<512x64xbf16>
    %swap3A_186 = vector.shape_cast %slice3A_180 : vector<512x64xbf16> to vector<1x512x64xbf16>
    tpu.vector_store %arg11[%swap3A_181, %swap3A_182, %swap3A_183], %swap3A_186 {strides = array<i32>} : memref<12x512x64xbf16, #tpu.memory_space<vmem>>, vector<1x512x64xbf16>,
    %slice3A_187 = vector.extract_strided_slice %convert_element_type3A_130 {offsets = [0, 512], sizes = [512, 64], strides = [1, 1]} : vector<512x768xbf16> to vector<512x64xbf16>
    %swap3A_188 = arith.constant 8 : index
    %swap3A_189 = arith.constant 0 : index
    %swap3A_190 = arith.constant 0 : index
    %swap3A_191 = vector.load %arg11[%swap3A_188, %swap3A_189, %swap3A_190] : memref<12x512x64xbf16, #tpu.memory_space<vmem>>, vector<1x512x64xbf16>
    %swap3A_192 = vector.shape_cast %swap3A_191 : vector<1x512x64xbf16> to vector<512x64xbf16>
    %swap3A_193 = vector.shape_cast %slice3A_187 : vector<512x64xbf16> to vector<1x512x64xbf16>
    tpu.vector_store %arg11[%swap3A_188, %swap3A_189, %swap3A_190], %swap3A_193 {strides = array<i32>} : memref<12x512x64xbf16, #tpu.memory_space<vmem>>, vector<1x512x64xbf16>,
    %slice3A_194 = vector.extract_strided_slice %convert_element_type3A_130 {offsets = [0, 576], sizes = [512, 64], strides = [1, 1]} : vector<512x768xbf16> to vector<512x64xbf16>
    %swap3A_195 = arith.constant 9 : index
    %swap3A_196 = arith.constant 0 : index
    %swap3A_197 = arith.constant 0 : index
    %swap3A_198 = vector.load %arg11[%swap3A_195, %swap3A_196, %swap3A_197] : memref<12x512x64xbf16, #tpu.memory_space<vmem>>, vector<1x512x64xbf16>
    %swap3A_199 = vector.shape_cast %swap3A_198 : vector<1x512x64xbf16> to vector<512x64xbf16>
    %swap3A_200 = vector.shape_cast %slice3A_194 : vector<512x64xbf16> to vector<1x512x64xbf16>
    tpu.vector_store %arg11[%swap3A_195, %swap3A_196, %swap3A_197], %swap3A_200 {strides = array<i32>} : memref<12x512x64xbf16, #tpu.memory_space<vmem>>, vector<1x512x64xbf16>,
    %slice3A_201 = vector.extract_strided_slice %convert_element_type3A_130 {offsets = [0, 640], sizes = [512, 64], strides = [1, 1]} : vector<512x768xbf16> to vector<512x64xbf16>
    %swap3A_202 = arith.constant 10 : index
    %swap3A_203 = arith.constant 0 : index
    %swap3A_204 = arith.constant 0 : index
    %swap3A_205 = vector.load %arg11[%swap3A_202, %swap3A_203, %swap3A_204] : memref<12x512x64xbf16, #tpu.memory_space<vmem>>, vector<1x512x64xbf16>
    %swap3A_206 = vector.shape_cast %swap3A_205 : vector<1x512x64xbf16> to vector<512x64xbf16>
    %swap3A_207 = vector.shape_cast %slice3A_201 : vector<512x64xbf16> to vector<1x512x64xbf16>
    tpu.vector_store %arg11[%swap3A_202, %swap3A_203, %swap3A_204], %swap3A_207 {strides = array<i32>} : memref<12x512x64xbf16, #tpu.memory_space<vmem>>, vector<1x512x64xbf16>,
    %slice3A_208 = vector.extract_strided_slice %convert_element_type3A_130 {offsets = [0, 704], sizes = [512, 64], strides = [1, 1]} : vector<512x768xbf16> to vector<512x64xbf16>
    %swap3A_209 = arith.constant 11 : index
    %swap3A_210 = arith.constant 0 : index
    %swap3A_211 = arith.constant 0 : index
    %swap3A_212 = vector.load %arg11[%swap3A_209, %swap3A_210, %swap3A_211] : memref<12x512x64xbf16, #tpu.memory_space<vmem>>, vector<1x512x64xbf16>
    %swap3A_213 = vector.shape_cast %swap3A_212 : vector<1x512x64xbf16> to vector<512x64xbf16>
    %swap3A_214 = vector.shape_cast %slice3A_208 : vector<512x64xbf16> to vector<1x512x64xbf16>
    tpu.vector_store %arg11[%swap3A_209, %swap3A_210, %swap3A_211], %swap3A_214 {strides = array<i32>} : memref<12x512x64xbf16, #tpu.memory_space<vmem>>, vector<1x512x64xbf16>,
    %get3A_215 = arith.constant 0 : index
    %get3A_216 = arith.constant 0 : index
    %get3A_217 = vector.load %arg8[%get3A_215, %get3A_216] : memref<768x768xf32, #tpu.memory_space<vmem>>, vector<768x768xf32>
    %convert_element_type3A_218 = arith.truncf %get3A_217 : vector<768x768xf32> to vector<768x768xbf16>
    %dot_general3A_219 = arith.constant dense<0.000000e+00> : vector<512x768xf32>
    %dot_general3A_220 = tpu.matmul %convert_element_type3A, %convert_element_type3A_218, %dot_general3A_219 {dimension_numbers = #tpu.dot_dimension_numbers<[1], [0], [0], [1], [0, 0, 1, 1], [], []>, transpose_lhs_hint = false} : vector<512x768xbf16>, vector<768x768xbf16>, vector<512x768xf32> -> vector<512x768xf32>
    %get3A_221 = arith.constant 0 : index
    %get3A_222 = arith.constant 0 : index
    %get3A_223 = vector.load %arg9[%get3A_221, %get3A_222] : memref<1x768xf32, #tpu.memory_space<vmem>>, vector<1x768xf32>
    %add3A_224 = vector.broadcast %get3A_223 : vector<1x768xf32> to vector<512x768xf32>
    %add3A_225 = arith.addf %dot_general3A_220, %add3A_224 : vector<512x768xf32>
    %convert_element_type3A_226 = arith.truncf %add3A_225 : vector<512x768xf32> to vector<512x768xbf16>
    %slice3A_227 = vector.extract_strided_slice %convert_element_type3A_226 {offsets = [0, 0], sizes = [512, 64], strides = [1, 1]} : vector<512x768xbf16> to vector<512x64xbf16>
    %swap3A_228 = arith.constant 0 : index
    %swap3A_229 = arith.constant 0 : index
    %swap3A_230 = arith.constant 0 : index
    %swap3A_231 = vector.load %arg12[%swap3A_228, %swap3A_229, %swap3A_230] : memref<12x512x64xbf16, #tpu.memory_space<vmem>>, vector<1x512x64xbf16>
    %swap3A_232 = vector.shape_cast %swap3A_231 : vector<1x512x64xbf16> to vector<512x64xbf16>
    %swap3A_233 = vector.shape_cast %slice3A_227 : vector<512x64xbf16> to vector<1x512x64xbf16>
    tpu.vector_store %arg12[%swap3A_228, %swap3A_229, %swap3A_230], %swap3A_233 {strides = array<i32>} : memref<12x512x64xbf16, #tpu.memory_space<vmem>>, vector<1x512x64xbf16>,
    %slice3A_234 = vector.extract_strided_slice %convert_element_type3A_226 {offsets = [0, 64], sizes = [512, 64], strides = [1, 1]} : vector<512x768xbf16> to vector<512x64xbf16>
    %swap3A_235 = arith.constant 1 : index
    %swap3A_236 = arith.constant 0 : index
    %swap3A_237 = arith.constant 0 : index
    %swap3A_238 = vector.load %arg12[%swap3A_235, %swap3A_236, %swap3A_237] : memref<12x512x64xbf16, #tpu.memory_space<vmem>>, vector<1x512x64xbf16>
    %swap3A_239 = vector.shape_cast %swap3A_238 : vector<1x512x64xbf16> to vector<512x64xbf16>
    %swap3A_240 = vector.shape_cast %slice3A_234 : vector<512x64xbf16> to vector<1x512x64xbf16>
    tpu.vector_store %arg12[%swap3A_235, %swap3A_236, %swap3A_237], %swap3A_240 {strides = array<i32>} : memref<12x512x64xbf16, #tpu.memory_space<vmem>>, vector<1x512x64xbf16>,
    %slice3A_241 = vector.extract_strided_slice %convert_element_type3A_226 {offsets = [0, 128], sizes = [512, 64], strides = [1, 1]} : vector<512x768xbf16> to vector<512x64xbf16>
    %swap3A_242 = arith.constant 2 : index
    %swap3A_243 = arith.constant 0 : index
    %swap3A_244 = arith.constant 0 : index
    %swap3A_245 = vector.load %arg12[%swap3A_242, %swap3A_243, %swap3A_244] : memref<12x512x64xbf16, #tpu.memory_space<vmem>>, vector<1x512x64xbf16>
    %swap3A_246 = vector.shape_cast %swap3A_245 : vector<1x512x64xbf16> to vector<512x64xbf16>
    %swap3A_247 = vector.shape_cast %slice3A_241 : vector<512x64xbf16> to vector<1x512x64xbf16>
    tpu.vector_store %arg12[%swap3A_242, %swap3A_243, %swap3A_244], %swap3A_247 {strides = array<i32>} : memref<12x512x64xbf16, #tpu.memory_space<vmem>>, vector<1x512x64xbf16>,
    %slice3A_248 = vector.extract_strided_slice %convert_element_type3A_226 {offsets = [0, 192], sizes = [512, 64], strides = [1, 1]} : vector<512x768xbf16> to vector<512x64xbf16>
    %swap3A_249 = arith.constant 3 : index
    %swap3A_250 = arith.constant 0 : index
    %swap3A_251 = arith.constant 0 : index
    %swap3A_252 = vector.load %arg12[%swap3A_249, %swap3A_250, %swap3A_251] : memref<12x512x64xbf16, #tpu.memory_space<vmem>>, vector<1x512x64xbf16>
    %swap3A_253 = vector.shape_cast %swap3A_252 : vector<1x512x64xbf16> to vector<512x64xbf16>
    %swap3A_254 = vector.shape_cast %slice3A_248 : vector<512x64xbf16> to vector<1x512x64xbf16>
    tpu.vector_store %arg12[%swap3A_249, %swap3A_250, %swap3A_251], %swap3A_254 {strides = array<i32>} : memref<12x512x64xbf16, #tpu.memory_space<vmem>>, vector<1x512x64xbf16>,
    %slice3A_255 = vector.extract_strided_slice %convert_element_type3A_226 {offsets = [0, 256], sizes = [512, 64], strides = [1, 1]} : vector<512x768xbf16> to vector<512x64xbf16>
    %swap3A_256 = arith.constant 4 : index
    %swap3A_257 = arith.constant 0 : index
    %swap3A_258 = arith.constant 0 : index
    %swap3A_259 = vector.load %arg12[%swap3A_256, %swap3A_257, %swap3A_258] : memref<12x512x64xbf16, #tpu.memory_space<vmem>>, vector<1x512x64xbf16>
    %swap3A_260 = vector.shape_cast %swap3A_259 : vector<1x512x64xbf16> to vector<512x64xbf16>
    %swap3A_261 = vector.shape_cast %slice3A_255 : vector<512x64xbf16> to vector<1x512x64xbf16>
    tpu.vector_store %arg12[%swap3A_256, %swap3A_257, %swap3A_258], %swap3A_261 {strides = array<i32>} : memref<12x512x64xbf16, #tpu.memory_space<vmem>>, vector<1x512x64xbf16>,
    %slice3A_262 = vector.extract_strided_slice %convert_element_type3A_226 {offsets = [0, 320], sizes = [512, 64], strides = [1, 1]} : vector<512x768xbf16> to vector<512x64xbf16>
    %swap3A_263 = arith.constant 5 : index
    %swap3A_264 = arith.constant 0 : index
    %swap3A_265 = arith.constant 0 : index
    %swap3A_266 = vector.load %arg12[%swap3A_263, %swap3A_264, %swap3A_265] : memref<12x512x64xbf16, #tpu.memory_space<vmem>>, vector<1x512x64xbf16>
    %swap3A_267 = vector.shape_cast %swap3A_266 : vector<1x512x64xbf16> to vector<512x64xbf16>
    %swap3A_268 = vector.shape_cast %slice3A_262 : vector<512x64xbf16> to vector<1x512x64xbf16>
    tpu.vector_store %arg12[%swap3A_263, %swap3A_264, %swap3A_265], %swap3A_268 {strides = array<i32>} : memref<12x512x64xbf16, #tpu.memory_space<vmem>>, vector<1x512x64xbf16>,
    %slice3A_269 = vector.extract_strided_slice %convert_element_type3A_226 {offsets = [0, 384], sizes = [512, 64], strides = [1, 1]} : vector<512x768xbf16> to vector<512x64xbf16>
    %swap3A_270 = arith.constant 6 : index
    %swap3A_271 = arith.constant 0 : index
    %swap3A_272 = arith.constant 0 : index
    %swap3A_273 = vector.load %arg12[%swap3A_270, %swap3A_271, %swap3A_272] : memref<12x512x64xbf16, #tpu.memory_space<vmem>>, vector<1x512x64xbf16>
    %swap3A_274 = vector.shape_cast %swap3A_273 : vector<1x512x64xbf16> to vector<512x64xbf16>
    %swap3A_275 = vector.shape_cast %slice3A_269 : vector<512x64xbf16> to vector<1x512x64xbf16>
    tpu.vector_store %arg12[%swap3A_270, %swap3A_271, %swap3A_272], %swap3A_275 {strides = array<i32>} : memref<12x512x64xbf16, #tpu.memory_space<vmem>>, vector<1x512x64xbf16>,
    %slice3A_276 = vector.extract_strided_slice %convert_element_type3A_226 {offsets = [0, 448], sizes = [512, 64], strides = [1, 1]} : vector<512x768xbf16> to vector<512x64xbf16>
    %swap3A_277 = arith.constant 7 : index
    %swap3A_278 = arith.constant 0 : index
    %swap3A_279 = arith.constant 0 : index
    %swap3A_280 = vector.load %arg12[%swap3A_277, %swap3A_278, %swap3A_279] : memref<12x512x64xbf16, #tpu.memory_space<vmem>>, vector<1x512x64xbf16>
    %swap3A_281 = vector.shape_cast %swap3A_280 : vector<1x512x64xbf16> to vector<512x64xbf16>
    %swap3A_282 = vector.shape_cast %slice3A_276 : vector<512x64xbf16> to vector<1x512x64xbf16>
    tpu.vector_store %arg12[%swap3A_277, %swap3A_278, %swap3A_279], %swap3A_282 {strides = array<i32>} : memref<12x512x64xbf16, #tpu.memory_space<vmem>>, vector<1x512x64xbf16>,
    %slice3A_283 = vector.extract_strided_slice %convert_element_type3A_226 {offsets = [0, 512], sizes = [512, 64], strides = [1, 1]} : vector<512x768xbf16> to vector<512x64xbf16>
    %swap3A_284 = arith.constant 8 : index
    %swap3A_285 = arith.constant 0 : index
    %swap3A_286 = arith.constant 0 : index
    %swap3A_287 = vector.load %arg12[%swap3A_284, %swap3A_285, %swap3A_286] : memref<12x512x64xbf16, #tpu.memory_space<vmem>>, vector<1x512x64xbf16>
    %swap3A_288 = vector.shape_cast %swap3A_287 : vector<1x512x64xbf16> to vector<512x64xbf16>
    %swap3A_289 = vector.shape_cast %slice3A_283 : vector<512x64xbf16> to vector<1x512x64xbf16>
    tpu.vector_store %arg12[%swap3A_284, %swap3A_285, %swap3A_286], %swap3A_289 {strides = array<i32>} : memref<12x512x64xbf16, #tpu.memory_space<vmem>>, vector<1x512x64xbf16>,
    %slice3A_290 = vector.extract_strided_slice %convert_element_type3A_226 {offsets = [0, 576], sizes = [512, 64], strides = [1, 1]} : vector<512x768xbf16> to vector<512x64xbf16>
    %swap3A_291 = arith.constant 9 : index
    %swap3A_292 = arith.constant 0 : index
    %swap3A_293 = arith.constant 0 : index
    %swap3A_294 = vector.load %arg12[%swap3A_291, %swap3A_292, %swap3A_293] : memref<12x512x64xbf16, #tpu.memory_space<vmem>>, vector<1x512x64xbf16>
    %swap3A_295 = vector.shape_cast %swap3A_294 : vector<1x512x64xbf16> to vector<512x64xbf16>
    %swap3A_296 = vector.shape_cast %slice3A_290 : vector<512x64xbf16> to vector<1x512x64xbf16>
    tpu.vector_store %arg12[%swap3A_291, %swap3A_292, %swap3A_293], %swap3A_296 {strides = array<i32>} : memref<12x512x64xbf16, #tpu.memory_space<vmem>>, vector<1x512x64xbf16>,
    %slice3A_297 = vector.extract_strided_slice %convert_element_type3A_226 {offsets = [0, 640], sizes = [512, 64], strides = [1, 1]} : vector<512x768xbf16> to vector<512x64xbf16>
    %swap3A_298 = arith.constant 10 : index
    %swap3A_299 = arith.constant 0 : index
    %swap3A_300 = arith.constant 0 : index
    %swap3A_301 = vector.load %arg12[%swap3A_298, %swap3A_299, %swap3A_300] : memref<12x512x64xbf16, #tpu.memory_space<vmem>>, vector<1x512x64xbf16>
    %swap3A_302 = vector.shape_cast %swap3A_301 : vector<1x512x64xbf16> to vector<512x64xbf16>
    %swap3A_303 = vector.shape_cast %slice3A_297 : vector<512x64xbf16> to vector<1x512x64xbf16>
    tpu.vector_store %arg12[%swap3A_298, %swap3A_299, %swap3A_300], %swap3A_303 {strides = array<i32>} : memref<12x512x64xbf16, #tpu.memory_space<vmem>>, vector<1x512x64xbf16>,
    %slice3A_304 = vector.extract_strided_slice %convert_element_type3A_226 {offsets = [0, 704], sizes = [512, 64], strides = [1, 1]} : vector<512x768xbf16> to vector<512x64xbf16>
    %swap3A_305 = arith.constant 11 : index
    %swap3A_306 = arith.constant 0 : index
    %swap3A_307 = arith.constant 0 : index
    %swap3A_308 = vector.load %arg12[%swap3A_305, %swap3A_306, %swap3A_307] : memref<12x512x64xbf16, #tpu.memory_space<vmem>>, vector<1x512x64xbf16>
    %swap3A_309 = vector.shape_cast %swap3A_308 : vector<1x512x64xbf16> to vector<512x64xbf16>
    %swap3A_310 = vector.shape_cast %slice3A_304 : vector<512x64xbf16> to vector<1x512x64xbf16>
    tpu.vector_store %arg12[%swap3A_305, %swap3A_306, %swap3A_307], %swap3A_310 {strides = array<i32>} : memref<12x512x64xbf16, #tpu.memory_space<vmem>>, vector<1x512x64xbf16>,
    return
  }
  func.func @transform_0(%arg0: i32) -> (i32, i32) {
    %c0_i32 = arith.constant 0 : i32
    %c0_i32_0 = arith.constant 0 : i32
    return %arg0, %c0_i32 : i32, i32
  }
  func.func @transform_1(%arg0: i32) -> (i32, i32) {
    %c0_i32 = arith.constant 0 : i32
    %c0_i32_0 = arith.constant 0 : i32
    %c0_i32_1 = arith.constant 0 : i32
    return %c0_i32, %c0_i32_0 : i32, i32
  }
  func.func @transform_2(%arg0: i32) -> (i32, i32) {
    %c0_i32 = arith.constant 0 : i32
    %c0_i32_0 = arith.constant 0 : i32
    %c0_i32_1 = arith.constant 0 : i32
    return %c0_i32, %c0_i32_0 : i32, i32
  }
  func.func @transform_3(%arg0: i32) -> (i32, i32) {
    %c0_i32 = arith.constant 0 : i32
    %c0_i32_0 = arith.constant 0 : i32
    %c0_i32_1 = arith.constant 0 : i32
    return %c0_i32, %c0_i32_0 : i32, i32
  }
  func.func @transform_4(%arg0: i32) -> (i32, i32) {
    %c0_i32 = arith.constant 0 : i32
    %c0_i32_0 = arith.constant 0 : i32
    %c0_i32_1 = arith.constant 0 : i32
    return %c0_i32, %c0_i32_0 : i32, i32
  }
  func.func @transform_5(%arg0: i32) -> (i32, i32) {
    %c0_i32 = arith.constant 0 : i32
    %c0_i32_0 = arith.constant 0 : i32
    %c0_i32_1 = arith.constant 0 : i32
    return %c0_i32, %c0_i32_0 : i32, i32
  }
  func.func @transform_6(%arg0: i32) -> (i32, i32) {
    %c0_i32 = arith.constant 0 : i32
    %c0_i32_0 = arith.constant 0 : i32
    %c0_i32_1 = arith.constant 0 : i32
    return %c0_i32, %c0_i32_0 : i32, i32
  }
  func.func @transform_7(%arg0: i32) -> (i32, i32) {
    %c0_i32 = arith.constant 0 : i32
    %c0_i32_0 = arith.constant 0 : i32
    %c0_i32_1 = arith.constant 0 : i32
    return %c0_i32, %c0_i32_0 : i32, i32
  }
  func.func @transform_8(%arg0: i32) -> (i32, i32) {
    %c0_i32 = arith.constant 0 : i32
    %c0_i32_0 = arith.constant 0 : i32
    %c0_i32_1 = arith.constant 0 : i32
    return %c0_i32, %c0_i32_0 : i32, i32
  }
  func.func @transform_9(%arg0: i32) -> (i32, i32, i32) {
    %c0_i32 = arith.constant 0 : i32
    %c0_i32_0 = arith.constant 0 : i32
    %c0_i32_1 = arith.constant 0 : i32
    return %c0_i32, %arg0, %c0_i32_0 : i32, i32, i32
  }
  func.func @transform_10(%arg0: i32) -> (i32, i32, i32) {
    %c0_i32 = arith.constant 0 : i32
    %c0_i32_0 = arith.constant 0 : i32
    %c0_i32_1 = arith.constant 0 : i32
    return %c0_i32, %arg0, %c0_i32_0 : i32, i32, i32
  }
  func.func @transform_11(%arg0: i32) -> (i32, i32, i32) {
    %c0_i32 = arith.constant 0 : i32
    %c0_i32_0 = arith.constant 0 : i32
    %c0_i32_1 = arith.constant 0 : i32
    return %c0_i32, %arg0, %c0_i32_0 : i32, i32, i32
  }
}

module attributes {stable_mosaic.version = 14 : i64} {
  func.func @_slot_body(%arg0: i32, %arg1: memref<1x4096xf32, #tpu.memory_space<vmem>>, %arg2: memref<4096x2xf32, #tpu.memory_space<vmem>>, %arg3: memref<512x1xi32, #tpu.memory_space<vmem>>, %arg4: memref<512x1xf32, #tpu.memory_space<vmem>>) attributes {dimension_semantics = [#tpu.dimension_semantics<parallel>], iteration_bounds = array<i64: 10>, scalar_prefetch = 0 : i64, scratch_operands = 0 : i64, tpu.core_type = #tpu.core_type<tc>, window_params = [{pipeline_mode = #tpu.pipeline_mode<synchronous>, transform_indices = @transform_0, window_bounds = array<i64: 1, 4096>}, {pipeline_mode = #tpu.pipeline_mode<synchronous>, transform_indices = @transform_1, window_bounds = array<i64: 4096, 2>}, {transform_indices = @transform_2, window_bounds = array<i64: 512, 1>}, {transform_indices = @transform_3, window_bounds = array<i64: 512, 1>}]} {
    %iota3A = tpu.iota {dimensions = array<i32: 0>} : vector<512x4096xi32>
    %mul3A = arith.constant 512 : i32
    %mul3A_0 = arith.muli %arg0, %mul3A : i32
    %add3A = vector.broadcast %mul3A_0 : i32 to vector<512x4096xi32>
    %add3A_1 = arith.addi %iota3A, %add3A : vector<512x4096xi32>
    %get3A = arith.constant 0 : index
    %get3A_2 = arith.constant 0 : index
    %get3A_3 = vector.load %arg1[%get3A, %get3A_2] : memref<1x4096xf32, #tpu.memory_space<vmem>>, vector<1x4096xf32>
    %convert_element_type3A = arith.sitofp %add3A_1 : vector<512x4096xi32> to vector<512x4096xf32>
    %eq3A = vector.broadcast %get3A_3 : vector<1x4096xf32> to vector<512x4096xf32>
    %eq3A_4 = arith.cmpf oeq, %eq3A, %convert_element_type3A : vector<512x4096xf32>
    %jit3A = arith.constant 1.000000e+00 : f32
    %jit3A_5 = arith.constant 0.000000e+00 : f32
    %broadcast_in_dim3A = vector.broadcast %jit3A : f32 to vector<512x4096xf32>
    %broadcast_in_dim3A_6 = vector.broadcast %jit3A_5 : f32 to vector<512x4096xf32>
    %select_n3A = arith.select %eq3A_4, %broadcast_in_dim3A, %broadcast_in_dim3A_6 : vector<512x4096xi1>, vector<512x4096xf32>
    %get3A_7 = arith.constant 0 : index
    %get3A_8 = arith.constant 0 : index
    %get3A_9 = vector.load %arg2[%get3A_7, %get3A_8] : memref<4096x2xf32, #tpu.memory_space<vmem>>, vector<4096x2xf32>
    %dot_general3A = arith.constant dense<0.000000e+00> : vector<512x2xf32>
    %dot_general3A_10 = tpu.matmul %select_n3A, %get3A_9, %dot_general3A {dimension_numbers = #tpu.dot_dimension_numbers<[1], [0], [0], [1], [0, 0, 1, 1], [], []>, transpose_lhs_hint = false} : vector<512x4096xf32>, vector<4096x2xf32>, vector<512x2xf32> -> vector<512x2xf32>
    %slice3A = vector.extract_strided_slice %dot_general3A_10 {offsets = [0, 0], sizes = [512, 1], strides = [1, 1]} : vector<512x2xf32> to vector<512x1xf32>
    %convert_element_type3A_11 = arith.fptosi %slice3A : vector<512x1xf32> to vector<512x1xi32>
    %swap3A = arith.constant 0 : index
    %swap3A_12 = arith.constant 0 : index
    %swap3A_13 = vector.load %arg3[%swap3A, %swap3A_12] : memref<512x1xi32, #tpu.memory_space<vmem>>, vector<512x1xi32>
    tpu.vector_store %arg3[%swap3A, %swap3A_12], %convert_element_type3A_11 {strides = array<i32>} : memref<512x1xi32, #tpu.memory_space<vmem>>, vector<512x1xi32>,
    %slice3A_14 = vector.extract_strided_slice %dot_general3A_10 {offsets = [0, 1], sizes = [512, 1], strides = [1, 1]} : vector<512x2xf32> to vector<512x1xf32>
    %swap3A_15 = arith.constant 0 : index
    %swap3A_16 = arith.constant 0 : index
    %swap3A_17 = vector.load %arg4[%swap3A_15, %swap3A_16] : memref<512x1xf32, #tpu.memory_space<vmem>>, vector<512x1xf32>
    tpu.vector_store %arg4[%swap3A_15, %swap3A_16], %slice3A_14 {strides = array<i32>} : memref<512x1xf32, #tpu.memory_space<vmem>>, vector<512x1xf32>,
    return
  }
  func.func @transform_0(%arg0: i32) -> (i32, i32) {
    %c0_i32 = arith.constant 0 : i32
    %c0_i32_0 = arith.constant 0 : i32
    %c0_i32_1 = arith.constant 0 : i32
    return %c0_i32, %c0_i32_0 : i32, i32
  }
  func.func @transform_1(%arg0: i32) -> (i32, i32) {
    %c0_i32 = arith.constant 0 : i32
    %c0_i32_0 = arith.constant 0 : i32
    %c0_i32_1 = arith.constant 0 : i32
    return %c0_i32, %c0_i32_0 : i32, i32
  }
  func.func @transform_2(%arg0: i32) -> (i32, i32) {
    %c0_i32 = arith.constant 0 : i32
    %c0_i32_0 = arith.constant 0 : i32
    return %arg0, %c0_i32 : i32, i32
  }
  func.func @transform_3(%arg0: i32) -> (i32, i32) {
    %c0_i32 = arith.constant 0 : i32
    %c0_i32_0 = arith.constant 0 : i32
    return %arg0, %c0_i32 : i32, i32
  }
}

module attributes {stable_mosaic.version = 14 : i64} {
  func.func @_moe_body(%arg0: i32, %arg1: i32, %arg2: memref<40xi32, #tpu.memory_space<smem>>, %arg3: memref<128x1xi32, #tpu.memory_space<vmem>>, %arg4: memref<128x1xf32, #tpu.memory_space<vmem>>, %arg5: memref<2048x768xbf16, #tpu.memory_space<vmem>>, %arg6: memref<1x768x512xf32, #tpu.memory_space<vmem>>, %arg7: memref<1x1x512xf32, #tpu.memory_space<vmem>>, %arg8: memref<1x512x768xf32, #tpu.memory_space<vmem>>, %arg9: memref<1x1x768xf32, #tpu.memory_space<vmem>>, %arg10: memref<128x768xbf16, #tpu.memory_space<vmem>>, %arg11: memref<128x768xbf16, #tpu.memory_space<vmem>>, %arg12: memref<128x768xf32, #tpu.memory_space<vmem>>) attributes {dimension_semantics = [#tpu.dimension_semantics<arbitrary>, #tpu.dimension_semantics<arbitrary>], iteration_bounds = array<i64: 40, 6>, scalar_prefetch = 1 : i64, scratch_operands = 2 : i64, tpu.core_type = #tpu.core_type<tc>, window_params = [{transform_indices = @transform_0, window_bounds = array<i64: 128, 1>}, {transform_indices = @transform_1, window_bounds = array<i64: 128, 1>}, {pipeline_mode = #tpu.pipeline_mode<synchronous>, transform_indices = @transform_2, window_bounds = array<i64: 2048, 768>}, {transform_indices = @transform_3, window_bounds = array<i64: 1, 768, 512>}, {transform_indices = @transform_4, window_bounds = array<i64: 1, 1, 512>}, {transform_indices = @transform_5, window_bounds = array<i64: 1, 512, 768>}, {transform_indices = @transform_6, window_bounds = array<i64: 1, 1, 768>}, {transform_indices = @transform_7, window_bounds = array<i64: 128, 768>}]} {
    %eq3A = arith.constant 0 : i32
    %eq3A_0 = arith.cmpi eq, %arg1, %eq3A : i32
    %convert_element_type3A = arith.extui %eq3A_0 : i1 to i32
    %cond3A = arith.constant 0 : i32
    %cond3A_1 = arith.cmpi ne, %convert_element_type3A, %cond3A : i32
    scf.if %cond3A_1 {
      %get3A_46 = arith.constant 0 : index
      %get3A_47 = arith.constant 0 : index
      %get3A_48 = vector.load %arg3[%get3A_46, %get3A_47] : memref<128x1xi32, #tpu.memory_space<vmem>>, vector<128x1xi32>
      %convert_element_type3A_49 = arith.sitofp %get3A_48 : vector<128x1xi32> to vector<128x1xf32>
      %iota3A = tpu.iota {dimensions = array<i32: 1>} : vector<128x2048xi32>
      %convert_element_type3A_50 = arith.sitofp %iota3A : vector<128x2048xi32> to vector<128x2048xf32>
      %eq3A_51 = vector.broadcast %convert_element_type3A_49 : vector<128x1xf32> to vector<128x2048xf32>
      %eq3A_52 = arith.cmpf oeq, %eq3A_51, %convert_element_type3A_50 : vector<128x2048xf32>
      %jit3A = arith.constant 1.000000e+00 : f32
      %jit3A_53 = arith.constant 0.000000e+00 : f32
      %broadcast_in_dim3A = vector.broadcast %jit3A : f32 to vector<128x2048xf32>
      %broadcast_in_dim3A_54 = vector.broadcast %jit3A_53 : f32 to vector<128x2048xf32>
      %select_n3A = arith.select %eq3A_52, %broadcast_in_dim3A, %broadcast_in_dim3A_54 : vector<128x2048xi1>, vector<128x2048xf32>
      %convert_element_type3A_55 = arith.truncf %select_n3A : vector<128x2048xf32> to vector<128x2048xbf16>
      %get3A_56 = arith.constant 0 : index
      %get3A_57 = arith.constant 0 : index
      %get3A_58 = vector.load %arg5[%get3A_56, %get3A_57] : memref<2048x768xbf16, #tpu.memory_space<vmem>>, vector<2048x768xbf16>
      %dot_general3A_59 = arith.constant dense<0.000000e+00> : vector<128x768xf32>
      %dot_general3A_60 = tpu.matmul %convert_element_type3A_55, %get3A_58, %dot_general3A_59 {dimension_numbers = #tpu.dot_dimension_numbers<[1], [0], [0], [1], [0, 0, 1, 1], [], []>, transpose_lhs_hint = false} : vector<128x2048xbf16>, vector<2048x768xbf16>, vector<128x768xf32> -> vector<128x768xf32>
      %convert_element_type3A_61 = arith.truncf %dot_general3A_60 : vector<128x768xf32> to vector<128x768xbf16>
      %swap3A_62 = arith.constant 0 : index
      %swap3A_63 = arith.constant 0 : index
      %swap3A_64 = vector.load %arg11[%swap3A_62, %swap3A_63] : memref<128x768xbf16, #tpu.memory_space<vmem>>, vector<128x768xbf16>
      tpu.vector_store %arg11[%swap3A_62, %swap3A_63], %convert_element_type3A_61 {strides = array<i32>} : memref<128x768xbf16, #tpu.memory_space<vmem>>, vector<128x768xbf16>,
      %get3A_65 = arith.constant 0 : index
      %get3A_66 = arith.constant 0 : index
      %get3A_67 = arith.constant 0 : index
      %get3A_68 = vector.load %arg9[%get3A_65, %get3A_66, %get3A_67] : memref<1x1x768xf32, #tpu.memory_space<vmem>>, vector<1x1x768xf32>
      %get3A_69 = vector.shape_cast %get3A_68 : vector<1x1x768xf32> to vector<1x768xf32>
      %broadcast_in_dim3A_70 = vector.shape_cast %get3A_69 : vector<1x768xf32> to vector<1x768xf32>
      %broadcast_in_dim3A_71 = vector.broadcast %broadcast_in_dim3A_70 : vector<1x768xf32> to vector<128x768xf32>
      %swap3A_72 = arith.constant 0 : index
      %swap3A_73 = arith.constant 0 : index
      %swap3A_74 = vector.load %arg12[%swap3A_72, %swap3A_73] : memref<128x768xf32, #tpu.memory_space<vmem>>, vector<128x768xf32>
      tpu.vector_store %arg12[%swap3A_72, %swap3A_73], %broadcast_in_dim3A_71 {strides = array<i32>} : memref<128x768xf32, #tpu.memory_space<vmem>>, vector<128x768xf32>,
    } else {
    }
    %get3A = arith.constant 0 : index
    %get3A_2 = arith.constant 0 : index
    %get3A_3 = vector.load %arg11[%get3A, %get3A_2] : memref<128x768xbf16, #tpu.memory_space<vmem>>, vector<128x768xbf16>
    %get3A_4 = arith.constant 0 : index
    %get3A_5 = arith.constant 0 : index
    %get3A_6 = arith.constant 0 : index
    %get3A_7 = vector.load %arg6[%get3A_4, %get3A_5, %get3A_6] : memref<1x768x512xf32, #tpu.memory_space<vmem>>, vector<1x768x512xf32>
    %get3A_8 = vector.shape_cast %get3A_7 : vector<1x768x512xf32> to vector<768x512xf32>
    %convert_element_type3A_9 = arith.truncf %get3A_8 : vector<768x512xf32> to vector<768x512xbf16>
    %dot_general3A = arith.constant dense<0.000000e+00> : vector<128x512xf32>
    %dot_general3A_10 = tpu.matmul %get3A_3, %convert_element_type3A_9, %dot_general3A {dimension_numbers = #tpu.dot_dimension_numbers<[1], [0], [0], [1], [0, 0, 1, 1], [], []>, transpose_lhs_hint = false} : vector<128x768xbf16>, vector<768x512xbf16>, vector<128x512xf32> -> vector<128x512xf32>
    %get3A_11 = arith.constant 0 : index
    %get3A_12 = arith.constant 0 : index
    %get3A_13 = arith.constant 0 : index
    %get3A_14 = vector.load %arg7[%get3A_11, %get3A_12, %get3A_13] : memref<1x1x512xf32, #tpu.memory_space<vmem>>, vector<1x1x512xf32>
    %get3A_15 = vector.shape_cast %get3A_14 : vector<1x1x512xf32> to vector<1x512xf32>
    %add3A = vector.broadcast %get3A_15 : vector<1x512xf32> to vector<128x512xf32>
    %add3A_16 = arith.addf %dot_general3A_10, %add3A : vector<128x512xf32>
    %mul3A = arith.constant 5.000000e-01 : f32
    %mul3A_17 = vector.broadcast %mul3A : f32 to vector<128x512xf32>
    %mul3A_18 = arith.mulf %mul3A_17, %add3A_16 : vector<128x512xf32>
    %mul3A_19 = arith.constant 0.707106769 : f32
    %mul3A_20 = vector.broadcast %mul3A_19 : f32 to vector<128x512xf32>
    %mul3A_21 = arith.mulf %add3A_16, %mul3A_20 : vector<128x512xf32>
    %erf3A = math.erf %mul3A_21 : vector<128x512xf32>
    %add3A_22 = arith.constant 1.000000e+00 : f32
    %add3A_23 = vector.broadcast %add3A_22 : f32 to vector<128x512xf32>
    %add3A_24 = arith.addf %add3A_23, %erf3A : vector<128x512xf32>
    %mul3A_25 = arith.mulf %mul3A_18, %add3A_24 : vector<128x512xf32>
    %get3A_26 = arith.constant 0 : index
    %get3A_27 = arith.constant 0 : index
    %get3A_28 = vector.load %arg12[%get3A_26, %get3A_27] : memref<128x768xf32, #tpu.memory_space<vmem>>, vector<128x768xf32>
    %convert_element_type3A_29 = arith.truncf %mul3A_25 : vector<128x512xf32> to vector<128x512xbf16>
    %get3A_30 = arith.constant 0 : index
    %get3A_31 = arith.constant 0 : index
    %get3A_32 = arith.constant 0 : index
    %get3A_33 = vector.load %arg8[%get3A_30, %get3A_31, %get3A_32] : memref<1x512x768xf32, #tpu.memory_space<vmem>>, vector<1x512x768xf32>
    %get3A_34 = vector.shape_cast %get3A_33 : vector<1x512x768xf32> to vector<512x768xf32>
    %convert_element_type3A_35 = arith.truncf %get3A_34 : vector<512x768xf32> to vector<512x768xbf16>
    %dot_general3A_36 = arith.constant dense<0.000000e+00> : vector<128x768xf32>
    %dot_general3A_37 = tpu.matmul %convert_element_type3A_29, %convert_element_type3A_35, %dot_general3A_36 {dimension_numbers = #tpu.dot_dimension_numbers<[1], [0], [0], [1], [0, 0, 1, 1], [], []>, transpose_lhs_hint = false} : vector<128x512xbf16>, vector<512x768xbf16>, vector<128x768xf32> -> vector<128x768xf32>
    %add3A_38 = arith.addf %get3A_28, %dot_general3A_37 : vector<128x768xf32>
    %swap3A = arith.constant 0 : index
    %swap3A_39 = arith.constant 0 : index
    %swap3A_40 = vector.load %arg12[%swap3A, %swap3A_39] : memref<128x768xf32, #tpu.memory_space<vmem>>, vector<128x768xf32>
    tpu.vector_store %arg12[%swap3A, %swap3A_39], %add3A_38 {strides = array<i32>} : memref<128x768xf32, #tpu.memory_space<vmem>>, vector<128x768xf32>,
    %eq3A_41 = arith.constant 5 : i32
    %eq3A_42 = arith.cmpi eq, %arg1, %eq3A_41 : i32
    %convert_element_type3A_43 = arith.extui %eq3A_42 : i1 to i32
    %cond3A_44 = arith.constant 0 : i32
    %cond3A_45 = arith.cmpi ne, %convert_element_type3A_43, %cond3A_44 : i32
    scf.if %cond3A_45 {
      %get3A_46 = arith.constant 0 : index
      %get3A_47 = arith.constant 0 : index
      %get3A_48 = vector.load %arg12[%get3A_46, %get3A_47] : memref<128x768xf32, #tpu.memory_space<vmem>>, vector<128x768xf32>
      %get3A_49 = arith.constant 0 : index
      %get3A_50 = arith.constant 0 : index
      %get3A_51 = vector.load %arg4[%get3A_49, %get3A_50] : memref<128x1xf32, #tpu.memory_space<vmem>>, vector<128x1xf32>
      %mul3A_52 = vector.broadcast %get3A_51 : vector<128x1xf32> to vector<128x768xf32>
      %mul3A_53 = arith.mulf %get3A_48, %mul3A_52 : vector<128x768xf32>
      %convert_element_type3A_54 = arith.truncf %mul3A_53 : vector<128x768xf32> to vector<128x768xbf16>
      %swap3A_55 = arith.constant 0 : index
      %swap3A_56 = arith.constant 0 : index
      %swap3A_57 = vector.load %arg10[%swap3A_55, %swap3A_56] : memref<128x768xbf16, #tpu.memory_space<vmem>>, vector<128x768xbf16>
      tpu.vector_store %arg10[%swap3A_55, %swap3A_56], %convert_element_type3A_54 {strides = array<i32>} : memref<128x768xbf16, #tpu.memory_space<vmem>>, vector<128x768xbf16>,
    } else {
    }
    return
  }
  func.func @transform_0(%arg0: i32, %arg1: i32, %arg2: memref<40xi32, #tpu.memory_space<smem>>) -> (i32, i32) {
    %c0_i32 = arith.constant 0 : i32
    %c0_i32_0 = arith.constant 0 : i32
    return %arg0, %c0_i32 : i32, i32
  }
  func.func @transform_1(%arg0: i32, %arg1: i32, %arg2: memref<40xi32, #tpu.memory_space<smem>>) -> (i32, i32) {
    %c0_i32 = arith.constant 0 : i32
    %c0_i32_0 = arith.constant 0 : i32
    return %arg0, %c0_i32 : i32, i32
  }
  func.func @transform_2(%arg0: i32, %arg1: i32, %arg2: memref<40xi32, #tpu.memory_space<smem>>) -> (i32, i32) {
    %c0_i32 = arith.constant 0 : i32
    %c0_i32_0 = arith.constant 0 : i32
    %c0_i32_1 = arith.constant 0 : i32
    return %c0_i32, %c0_i32_0 : i32, i32
  }
  func.func @transform_3(%arg0: i32, %arg1: i32, %arg2: memref<40xi32, #tpu.memory_space<smem>>) -> (i32, i32, i32) {
    %get3A = arith.index_cast %arg0 : i32 to index
    %get3A_0 = memref.load %arg2[%get3A] : memref<40xi32, #tpu.memory_space<smem>>
    %c0_i32 = arith.constant 0 : i32
    %c0_i32_1 = arith.constant 0 : i32
    return %get3A_0, %c0_i32, %arg1 : i32, i32, i32
  }
  func.func @transform_4(%arg0: i32, %arg1: i32, %arg2: memref<40xi32, #tpu.memory_space<smem>>) -> (i32, i32, i32) {
    %get3A = arith.index_cast %arg0 : i32 to index
    %get3A_0 = memref.load %arg2[%get3A] : memref<40xi32, #tpu.memory_space<smem>>
    %c0_i32 = arith.constant 0 : i32
    %c0_i32_1 = arith.constant 0 : i32
    return %get3A_0, %c0_i32, %arg1 : i32, i32, i32
  }
  func.func @transform_5(%arg0: i32, %arg1: i32, %arg2: memref<40xi32, #tpu.memory_space<smem>>) -> (i32, i32, i32) {
    %get3A = arith.index_cast %arg0 : i32 to index
    %get3A_0 = memref.load %arg2[%get3A] : memref<40xi32, #tpu.memory_space<smem>>
    %c0_i32 = arith.constant 0 : i32
    %c0_i32_1 = arith.constant 0 : i32
    return %get3A_0, %arg1, %c0_i32 : i32, i32, i32
  }
  func.func @transform_6(%arg0: i32, %arg1: i32, %arg2: memref<40xi32, #tpu.memory_space<smem>>) -> (i32, i32, i32) {
    %get3A = arith.index_cast %arg0 : i32 to index
    %get3A_0 = memref.load %arg2[%get3A] : memref<40xi32, #tpu.memory_space<smem>>
    %c0_i32 = arith.constant 0 : i32
    %c0_i32_1 = arith.constant 0 : i32
    %c0_i32_2 = arith.constant 0 : i32
    return %get3A_0, %c0_i32, %c0_i32_1 : i32, i32, i32
  }
  func.func @transform_7(%arg0: i32, %arg1: i32, %arg2: memref<40xi32, #tpu.memory_space<smem>>) -> (i32, i32) {
    %c0_i32 = arith.constant 0 : i32
    %c0_i32_0 = arith.constant 0 : i32
    return %arg0, %c0_i32 : i32, i32
  }
}

module attributes {stable_mosaic.version = 14 : i64} {
  func.func @_combine_body(%arg0: i32, %arg1: memref<512x1xi32, #tpu.memory_space<vmem>>, %arg2: memref<512x1xi32, #tpu.memory_space<vmem>>, %arg3: memref<512x768xf32, #tpu.memory_space<vmem>>, %arg4: memref<5120x768xbf16, #tpu.memory_space<vmem>>, %arg5: memref<512x768xf32, #tpu.memory_space<vmem>>) attributes {dimension_semantics = [#tpu.dimension_semantics<parallel>], iteration_bounds = array<i64: 4>, scalar_prefetch = 0 : i64, scratch_operands = 0 : i64, tpu.core_type = #tpu.core_type<tc>, window_params = [{transform_indices = @transform_0, window_bounds = array<i64: 512, 1>}, {transform_indices = @transform_1, window_bounds = array<i64: 512, 1>}, {transform_indices = @transform_2, window_bounds = array<i64: 512, 768>}, {pipeline_mode = #tpu.pipeline_mode<synchronous>, transform_indices = @transform_3, window_bounds = array<i64: 5120, 768>}, {transform_indices = @transform_4, window_bounds = array<i64: 512, 768>}]} {
    %get3A = arith.constant 0 : index
    %get3A_0 = arith.constant 0 : index
    %get3A_1 = vector.load %arg1[%get3A, %get3A_0] : memref<512x1xi32, #tpu.memory_space<vmem>>, vector<512x1xi32>
    %convert_element_type3A = arith.sitofp %get3A_1 : vector<512x1xi32> to vector<512x1xf32>
    %get3A_2 = arith.constant 0 : index
    %get3A_3 = arith.constant 0 : index
    %get3A_4 = vector.load %arg2[%get3A_2, %get3A_3] : memref<512x1xi32, #tpu.memory_space<vmem>>, vector<512x1xi32>
    %convert_element_type3A_5 = arith.sitofp %get3A_4 : vector<512x1xi32> to vector<512x1xf32>
    %iota3A = tpu.iota {dimensions = array<i32: 1>} : vector<512x5120xi32>
    %convert_element_type3A_6 = arith.sitofp %iota3A : vector<512x5120xi32> to vector<512x5120xf32>
    %eq3A = vector.broadcast %convert_element_type3A : vector<512x1xf32> to vector<512x5120xf32>
    %eq3A_7 = arith.cmpf oeq, %eq3A, %convert_element_type3A_6 : vector<512x5120xf32>
    %jit3A = arith.constant 1.000000e+00 : f32
    %jit3A_8 = arith.constant 0.000000e+00 : f32
    %broadcast_in_dim3A = vector.broadcast %jit3A : f32 to vector<512x5120xf32>
    %broadcast_in_dim3A_9 = vector.broadcast %jit3A_8 : f32 to vector<512x5120xf32>
    %select_n3A = arith.select %eq3A_7, %broadcast_in_dim3A, %broadcast_in_dim3A_9 : vector<512x5120xi1>, vector<512x5120xf32>
    %eq3A_10 = vector.broadcast %convert_element_type3A_5 : vector<512x1xf32> to vector<512x5120xf32>
    %eq3A_11 = arith.cmpf oeq, %eq3A_10, %convert_element_type3A_6 : vector<512x5120xf32>
    %jit3A_12 = arith.constant 1.000000e+00 : f32
    %jit3A_13 = arith.constant 0.000000e+00 : f32
    %broadcast_in_dim3A_14 = vector.broadcast %jit3A_12 : f32 to vector<512x5120xf32>
    %broadcast_in_dim3A_15 = vector.broadcast %jit3A_13 : f32 to vector<512x5120xf32>
    %select_n3A_16 = arith.select %eq3A_11, %broadcast_in_dim3A_14, %broadcast_in_dim3A_15 : vector<512x5120xi1>, vector<512x5120xf32>
    %add3A = arith.addf %select_n3A, %select_n3A_16 : vector<512x5120xf32>
    %get3A_17 = arith.constant 0 : index
    %get3A_18 = arith.constant 0 : index
    %get3A_19 = vector.load %arg3[%get3A_17, %get3A_18] : memref<512x768xf32, #tpu.memory_space<vmem>>, vector<512x768xf32>
    %convert_element_type3A_20 = arith.truncf %add3A : vector<512x5120xf32> to vector<512x5120xbf16>
    %get3A_21 = arith.constant 0 : index
    %get3A_22 = arith.constant 0 : index
    %get3A_23 = vector.load %arg4[%get3A_21, %get3A_22] : memref<5120x768xbf16, #tpu.memory_space<vmem>>, vector<5120x768xbf16>
    %dot_general3A = arith.constant dense<0.000000e+00> : vector<512x768xf32>
    %dot_general3A_24 = tpu.matmul %convert_element_type3A_20, %get3A_23, %dot_general3A {dimension_numbers = #tpu.dot_dimension_numbers<[1], [0], [0], [1], [0, 0, 1, 1], [], []>, transpose_lhs_hint = false} : vector<512x5120xbf16>, vector<5120x768xbf16>, vector<512x768xf32> -> vector<512x768xf32>
    %add3A_25 = arith.addf %get3A_19, %dot_general3A_24 : vector<512x768xf32>
    %swap3A = arith.constant 0 : index
    %swap3A_26 = arith.constant 0 : index
    %swap3A_27 = vector.load %arg5[%swap3A, %swap3A_26] : memref<512x768xf32, #tpu.memory_space<vmem>>, vector<512x768xf32>
    tpu.vector_store %arg5[%swap3A, %swap3A_26], %add3A_25 {strides = array<i32>} : memref<512x768xf32, #tpu.memory_space<vmem>>, vector<512x768xf32>,
    return
  }
  func.func @transform_0(%arg0: i32) -> (i32, i32) {
    %c0_i32 = arith.constant 0 : i32
    %c0_i32_0 = arith.constant 0 : i32
    return %arg0, %c0_i32 : i32, i32
  }
  func.func @transform_1(%arg0: i32) -> (i32, i32) {
    %c0_i32 = arith.constant 0 : i32
    %c0_i32_0 = arith.constant 0 : i32
    return %arg0, %c0_i32 : i32, i32
  }
  func.func @transform_2(%arg0: i32) -> (i32, i32) {
    %c0_i32 = arith.constant 0 : i32
    %c0_i32_0 = arith.constant 0 : i32
    return %arg0, %c0_i32 : i32, i32
  }
  func.func @transform_3(%arg0: i32) -> (i32, i32) {
    %c0_i32 = arith.constant 0 : i32
    %c0_i32_0 = arith.constant 0 : i32
    %c0_i32_1 = arith.constant 0 : i32
    return %c0_i32, %c0_i32_0 : i32, i32
  }
  func.func @transform_4(%arg0: i32) -> (i32, i32) {
    %c0_i32 = arith.constant 0 : i32
    %c0_i32_0 = arith.constant 0 : i32
    return %arg0, %c0_i32 : i32, i32
  }
}

</mosaic_0001>

<sc_bundles>
// kernel: gather_offload_async_start
scs
__scs_entry_jumppad:
0x0: {  	(pc) =	sbr.rel $0x88, $3  }
0x1: {  	(tag) =	ssettag $0x0;
	lr =	simm.s32 $0x1  }
0x2: {  	[smem:$0x3F8F] =	sst lr;
	_ =	strace $0xD0000000  }
0x3: {  	_ = 	snop  }
0x4: {  	_ = 	snop  }
0x5: {  	_ = 	snop  }
0x6: {  	_ = 	snop  }
0x7: {  	_ = 	snop  }
__scs_overlays_trampoline_lowered:
0x8: {  	[smem:$0x3F9E] =	sst s0  }
0x9: {  	[smem:$0x3F9F] =	sst s1  }
0xa: {  	[smem:$0x3FA0] =	sst s2  }
0xb: {  	[smem:$0x3FA1] =	sst s3  }
0xc: {  	[smem:$0x3FA2] =	sst s4  }
0xd: {  	[smem:$0x3FA3] =	sst s5  }
0xe: {  	[smem:$0x3FA4] =	sst s6  }
0xf: {  	[smem:$0x3FA5] =	sst s7  }
0x10: {  	[smem:$0x3FA6] =	sst s8  }
0x11: {  	[smem:$0x3FA7] =	sst s9;
	s0 =	simm.s32 @!p0 $0x0  }
0x12: {  	s1 =	sld [smem:$0x3F8D];
	s0 =	simm.s32 @p0 $0x1  }
0x13: {  	[smem:$0x3FA8] =	sst s0;
	s0 =	simm.s32 @!p1 $0x0  }
0x14: {  	s2 =	sld [smem:$0x3F8C];
	s0 =	simm.s32 @p1 $0x1  }
0x15: {  	[smem:$0x3FA9] =	sst s0;
	s0 =	simm.s32 @!p2 $0x0  }
0x16: {  	s3 =	sld [smem:$0x3FDB];
	s0 =	simm.s32 @p2 $0x1  }
0x17: {  	s4 =	simm.s32 $0x1BF5;
	[smem:$0x3FAB] =	sst s0  }
0x18: {  	s0 =	sld [smem:$0x3F8E];
	_ =	swait.ge [sflag:s4], $0x0  }
0x19: {  	s7 =	sld [smem:$0x3F8F]  }
0x1a: {  	s8 =	sadd.s32 $0xFFFFE003, lr  }
0x1b: {  	s9 =	sadd.s32 $0xFFFFFEF7, lr;
	s5 =	simm.s32 $0xFFFFFFFF;
	p2 =	slt.u32 s8, $0xFFFFF086  }
0x1c: {  	p1 =	slt.u32 s9, $0xF7A;
	s5 =	simm.s32 @!p2 $0x0  }
0x1d: {  	s5 =	simm.s32 @p1 $0x1;
	p0 =	seq.s32 s7, s2  }
0x1e: {  	s7 =	smul.u32 @!p0 $0xF7A, s2;
	p2 =	seq.s32 @!p0 s5, $0x0  }
0x1f: {  	s9 =	smul.u32 $0xF7A, s1;
	s8 =	simm.s32 @!p0 $0x1BF5;
	p2 =	por !p2, p0  }
0x20: {  	[sflag:s8] =	ssyncset.s32 @!p0 $0xFFFFF086;
	s6 =	sadd.s32 @!p0 s3, s7;
	s7 =	simm.s32 @!p0 $0x108  }
0x21: {  	s3 =	sadd.s32 s3, s9;
	s6 =	sadd.s32 @!p0 $0x88, s6;
	s7 =	simm.s32 @p2 $0x1082  }
0x22: {  	[simem:s7], [sflag:s8] =	dma.local @!p0 [hbm:s6], $0xF7A  }
0x23: {  	s9 =	sor.u32 $0xD0000000, s2;
	s6 =	simm.s32 $0x108;
	_ =	swait.ge @!p0 [sflag:s8], $0x0  }
0x24: {  	s3 =	sadd.s32 $0x88, s3;
	s6 =	simm.s32 @!p1 $0x1082;
	[sflag:s4] =	ssyncset.s32 $0xFFFFF086  }
0x25: {  	[simem:s6], [sflag:s4] =	dma.local [hbm:s3], $0xF7A  }
0x26: {  	[smem:$0x3F8F] =	sst s1;
	(tag) =	ssettag s2;
	_ =	strace s9  }
0x27: {  	s1 =	sld [smem:$0x3F9F]  }
0x28: {  	s2 =	sld [smem:$0x3FA0]  }
0x29: {  	s4 =	sld [smem:$0x3FA2]  }
0x2a: {  	p0 =	seq.s32 s5, $0x0;
	s5 =	sld [smem:$0x3FA3]  }
0x2b: {  	s6 =	sld [smem:$0x3FA4]  }
0x2c: {  	s7 =	sld [smem:$0x3FA5]  }
0x2d: {  	s3 =	simm.s32 $0x108;
	s8 =	sld [smem:$0x3FA6]  }
0x2e: {  	s3 =	simm.s32 @!p0 $0x1082;
	s9 =	sld [smem:$0x3FA7]  }
0x2f: {  	lr =	sadd.s32 s0, s3;
	s0 =	sld [smem:$0x3F9E]  }
0x30: {  	s3 =	sld [smem:$0x3FA1]  }
0x31: {  	[smem:$0x3FAA] =	sst s10  }
0x32: {  	s10 =	sld [smem:$0x3FA8];
	_ =	sdelay $0x3  }
0x33: {  	p0 =	seq.s32 s10, $0x1;
	s10 =	sld [smem:$0x3FAA];
	_ =	sdelay $0x3  }
0x34: {  	[smem:$0x3FAA] =	sst s10  }
0x35: {  	s10 =	sld [smem:$0x3FA9];
	_ =	sdelay $0x3  }
0x36: {  	p1 =	seq.s32 s10, $0x1;
	s10 =	sld [smem:$0x3FAA];
	_ =	sdelay $0x3  }
0x37: {  	[smem:$0x3FAA] =	sst s10  }
0x38: {  	s10 =	sld [smem:$0x3FAB]  }
0x39: {  	_ = 	snop;
	(pc) =	sbr.ind lr, $3  }
0x3a: {  	_ = 	snop  }
0x3b: {  	_ = 	snop  }
0x3c: {  	p2 =	seq.s32 s10, $0x1;
	s10 =	sld [smem:$0x3FAA]  }
0x3d: {  	_ =	shalt  }
0x3e: {  	_ =	shalt  }
0x3f: {  	_ =	shalt  }
0x40: {  	_ =	shalt  }
0x41: {  	_ =	shalt  }
0x42: {  	_ =	shalt  }
0x43: {  	_ =	shalt  }
0x44: {  	_ =	shalt  }
0x45: {  	_ =	shalt  }
0x46: {  	_ =	shalt  }
0x47: {  	_ =	shalt  }
0x48: {  	_ =	shalt  }
0x49: {  	_ =	shalt  }
0x4a: {  	_ =	shalt  }
0x4b: {  	_ =	shalt  }
0x4c: {  	_ =	shalt  }
0x4d: {  	_ =	shalt  }
0x4e: {  	_ =	shalt  }
0x4f: {  	_ =	shalt  }
0x50: {  	_ =	shalt  }
0x51: {  	_ =	shalt  }
0x52: {  	_ =	shalt  }
0x53: {  	_ =	shalt  }
0x54: {  	_ =	shalt  }
0x55: {  	_ =	shalt  }
0x56: {  	_ =	shalt  }
0x57: {  	_ =	shalt  }
0x58: {  	_ =	shalt  }
0x59: {  	_ =	shalt  }
0x5a: {  	_ =	shalt  }
0x5b: {  	_ =	shalt  }
0x5c: {  	_ =	shalt  }
0x5d: {  	_ =	shalt  }
0x5e: {  	_ =	shalt  }
0x5f: {  	_ =	shalt  }
0x60: {  	_ =	shalt  }
0x61: {  	_ =	shalt  }
0x62: {  	_ =	shalt  }
0x63: {  	_ =	shalt  }
0x64: {  	_ =	shalt  }
0x65: {  	_ =	shalt  }
0x66: {  	_ =	shalt  }
0x67: {  	_ =	shalt  }
0x68: {  	_ =	shalt  }
0x69: {  	_ =	shalt  }
0x6a: {  	_ =	shalt  }
0x6b: {  	_ =	shalt  }
0x6c: {  	_ =	shalt  }
0x6d: {  	_ =	shalt  }
0x6e: {  	_ =	shalt  }
0x6f: {  	_ =	shalt  }
0x70: {  	_ =	shalt  }
0x71: {  	_ =	shalt  }
0x72: {  	_ =	shalt  }
0x73: {  	_ =	shalt  }
0x74: {  	_ =	shalt  }
0x75: {  	_ =	shalt  }
0x76: {  	_ =	shalt  }
0x77: {  	_ =	shalt  }
0x78: {  	_ =	shalt  }
0x79: {  	_ =	shalt  }
0x7a: {  	_ =	shalt  }
0x7b: {  	_ =	shalt  }
0x7c: {  	_ =	shalt  }
0x7d: {  	_ =	shalt  }
0x7e: {  	_ =	shalt  }
0x7f: {  	_ =	shalt  }
0x80: {  	_ =	shalt  }
0x81: {  	_ =	shalt  }
0x82: {  	_ =	shalt  }
0x83: {  	_ =	shalt  }
0x84: {  	_ =	shalt  }
0x85: {  	_ =	shalt  }
0x86: {  	_ =	shalt  }
0x87: {  	_ =	shalt  }
.Lfunc_end0:
.L_simem_size_0:
called_computation_lowered:
.L_overlay_start_0:
0x88: {  	s2 =	sld [smem:$0x3FD9]  }
0x89: {  	s3 =	sld [smem:$0x3FFE];
	_ =	sdelay $0x1  }
0x8a: {  	s1 =	srdreg.scid  }
0x8b: {  	s0 =	sand.u32 $0x1, s1  }
0x8c: {  	s14 =	sshll.u32 s0, $0xA;
	s2 =	sadd.s32 s3, s2  }
0x8d: {  	s2 =	sadd.s32 s2, s14  }
0x8e: {  	[smem:$0x3FB6] =	sst s2  }
0x8f: {  	_ = 	snop  }
0x90: {  	s2 =	sld [smem:$0x3FD0];
	_ =	sdelay $0x2  }
0x91: {  	s15 =	simm.s32 $0xA;
	s4 =	simm.s32 $0x10  }
0x92: {  	[smem:s4], [sflag:s15] =	dma.local [hbm:s2], $0x1  }
0x93: {  	_ =	swait.eq [sflag:s15], $0x1  }
0x94: {  	[sflag:s15] =	ssyncset.done $0x0  }
0x95: {  	[sflag:s15] =	ssyncadd.s32 $0xFFFFFFFF  }
0x96: {  	s16 =	sld [smem:$0x10];
	(tm) =	ssettm $0x1  }
0x97: {  	s17 =	sld [smem:$0x3FFB];
	_ =	sdelay $0x3  }
0x98: {  	_ =	strace s17  }
0x99: {  	s3 =	sld [smem:$0x3FFC];
	_ =	sdelay $0x3  }
0x9a: {  	_ =	strace s3  }
0x9b: {  	s3 =	sld [smem:$0x3FFD];
	_ =	sdelay $0x3  }
0x9c: {  	_ =	strace s3  }
0x9d: {  	_ =	strace $0x8FFFFFFF  }
0x9e: {  	s18 =	sld [smem:$0x3FDB];
	_ =	sdelay $0x1  }
0x9f: {  	s19 =	simm.s32 $_scs_section_size  }
0xa0: {  	s5 =	simm.s32 $_size__tile_overlayer_lowered;
	s6 =	simm.s32 $_tile_overlayer_lowered  }
0xa1: {  	s22 =	simm.s32 $0x1BFF;
	s21 =	sshll.u32 s6, $0x1;
	s3 =	sadd.s32 s19, s18  }
0xa2: {  	s7 =	simm.s32 $0x0;
	s20 =	sshll.u32 s5, $0x1;
	s5 =	sadd.s32 s21, s3  }
0xa3: {  	[timem:s7], [sflag:s22] =	dma.local [hbm:s5], s20  }
0xa4: {  	_ =	swait.ge [sflag:s22], s20  }
0xa5: {  	s4 =	ssub.s32 $0x0, s20;
	[sflag:s22] =	ssyncset.done $0x0  }
0xa6: {  	[sflag:s22] =	ssyncadd.s32 s4;
	_ =	sdelay $0x1  }
0xa7: {  	s23 =	simm.s32 $0x1B8B  }
0xa8: {  	_ =	swait.ge [sflag:s23], $0x1  }
0xa9: {  	[sflag:s23] =	ssyncset.done $0x0  }
0xaa: {  	s25 =	simm.s32 $0x1B8E;
	s24 =	sld [smem:$0x3FFE];
	[sflag:s23] =	ssyncadd.s32 $0xFFFFFFFF  }
0xab: {  	s26 =	simm.s32 $execute0_lowered;
	[smem:$0x3FD2] =	sst s25  }
0xac: {  	s5 =	sshll.u32 s26, $0x1;
	_ =	strace $0x80000046;
	[dreg:$0x1] =	wrdreg $0xFFFFFFFF  }
0xad: {  	s28 =	simm.s32 $_size_execute0_lowered;
	s3 =	sadd.s32 s3, s5;
	[dreg:$0x0] =	wrdreg $0x0  }
0xae: {  	s5 =	sshll.u32 s28, $0x1;
	[dreg:$0x2] =	wrdreg s3  }
0xaf: {  	[dreg:$0x3] =	wrdreg s5  }
0xb0: {  	[dreg:$0x4] =	wrdreg $0xC0  }
0xb1: {  	_ =	task [dreg:s7], $0x5FFFF  }
0xb2: {  	[dreg:$0x1] =	wrdreg $0xFFFFFFFF  }
0xb3: {  	[dreg:$0x0] =	wrdreg $0x60  }
0xb4: {  	[dreg:$0x2] =	wrdreg s16  }
0xb5: {  	[dreg:$0x3] =	wrdreg s24  }
0xb6: {  	[dreg:$0x4] =	wrdreg $0x9  }
0xb7: {  	_ =	task.clear_ibuf [dreg:s7], $0x5FFFF;
	_ =	strace $0x90000046  }
0xb8: {  	s29 =	simm.s32 $0x9;
	_ =	strace $0x80000048  }
0xb9: {  	_ =	swait.ge [sflag:s29], $0x1  }
0xba: {  	[sflag:s29] =	ssyncadd.s32 $0xFFFFFFFF  }
0xbb: {  	_ =	strace $0x90000048  }
0xbc: {  	_ =	sfence  }
0xbd: {  	s30 =	sld [smem:$0x0];
	_ =	sdelay $0x2  }
0xbe: {  	s31 =	sshll.u32 s1, $0xD;
	s1 =	sshrl.u32 s1, $0x2  }
0xbf: {  	s3 =	sand.u32 $0x4000, s31;
	s1 =	sadd.s32 s1, s30  }
0xc0: {  	s0 =	sor.u32 s3, s0;
	s1 =	sshll.u32 s1, $0x11  }
0xc1: {  	s0 =	sor.u32 s1, s0  }
0xc2: {  	s0 =	sadd.s32 $0x8F2B, s0  }
0xc3: {  	[sflag:s0] =	ssyncadd.remote.s32 $0x1  }
0xc4: {  	_ =	sfence.sel $0xFFFF  }
0xc5: {  	[dreg:$0x0] =	wrdreg $0xFFFFFFFF;
	(pc) =	sbr.abs _section_cstart, $3  }
0xc6: {  	[dreg:$0x1] =	wrdreg $0xFFFFFFFF  }
0xc7: {  	_ =	task.clear_ibuf [dreg:s7], $0x2FFFF;
	_ =	strace $0x9FFFFFFF  }
0xc8: {  	(tm) =	ssettm $0x7FFFFFFF  }
0xc9: {  	_ =	shalt  }
tec
execute0_lowered:
.L_overlay_start_1:
0x0: {  	(tag) =	ssettag $0x1  }
0x1: {  	s1 =	srdreg.scid;
	s2 =	rddreg [dreg:$0x0]  }
0x2: {  	s0 =	stileid.u32;
	s3 =	rddreg [dreg:$0x1]  }
0x3: {  	s6 =	simm.s32 $0x1;
	s9 =	simm.s32 $0x1;
	s1 =	sshll.u32 s1, $0x6  }
0x4: {  	s10 =	simm.s32 $0x3;
	s4 =	sshll.u32 s0, $0x7;
	s5 =	sand.u32 $0x40, s1  }
0x5: {  	s13 =	simm.s32 $0x0;
	s12 =	simm.s32 $0x0;
	s4 =	sor.u32 s4, s5  }
0x6: {  	s1 =	rddreg [dreg:$0x2];
	_ =	strace $0x80000047;
	s8 =	ssub.s32 $0x1000, s4  }
.Ltmp0:
0x7: {  	s5 =	sadd.s32 $0x200, s3;
	s7 =	sand.u32 $0x7C0, s8;
	(pc) =	sbr.rel .LBB2_1-.Ltmp0, $4  }
0x8: {  	[sflag:s6] =	ssyncpa.u1 $0x0;
	s11 =	smov.u32 s4;
	p0 =	sne.s32 s7, $0x0  }
0x9: {  	s8 =	sshrl.u32 s8, $0xB;
	s7 =	simm.s32 $0x2;
	s9 =	simm.s32 @!p0 $0x0  }
0xa: {  	[sflag:s7] =	ssyncpa.u1 $0x0;
	p0 =	por $0x0, $0x0;
	s8 =	sadd.s32 s9, s8  }
0xb: {  	vm0 =	vmmov $0xffff;
	[sflag:s10] =	ssyncpa.u1 $0x0;
	s10 =	simm.s32 $0x0;
	s9 =	sadd.s32 $0x1, s8  }
.LBB2_4:
0xc: {  	v1 =	vsel vm1, $0xFFFFFFFF, v1;
	v2 =	vand.u32 $0x7, v2  }
0xd: {  	v2 =	vsel vm1, $0xFFFFFFFF, v2;
	v3 =	vshll.u32 v1, $0x3  }
0xe: {  	v4 =	vand.u32 $0xFFFF8000, v2;
	v3 =	vand.u32 $0xFFFFFC00, v3;
	v2 =	vshll.u32 v2, $0x7  }
0xf: {  	v3 =	vadd.s32 v3, v4;
	v2 =	vand.u32 $0x380, v2  }
0x10: {  	v1 =	vand.u32 $0x7F, v1;
	v2 =	vor.u32 v2, v3  }
0x11: {  	v1 =	vor.u32 v1, v2;
	_ =	sdelay $0x1  }
0x12: {  	(ifvalue) =	ssetifvalue $0x7FFFFFFF;
	s15 =	sadd.s32 $0x10, s15  }
0x13: {  	[tilespmem:s15], [sflag:$0x1] =	stream.indirect_vreg.gather [hbm4b:s2+s10], $0x1, v0, vm0, $0x4038;
	[tilespmem:$0x100] =	vst v63  }
0x14: {  	(ifvalue) =	ssetifvalue $0x7FFFFFFF;
	s15 =	sadd.s32 $0x10, s15  }
0x15: {  	[tilespmem:s15], [sflag:$0x1] =	stream.indirect_vreg.gather [hbm4b:s2+s10], $0x1, v1, vm0, $0x4038;
	[tilespmem:$0x100] =	vst v63  }
0x16: {  	_ =	swait.ge [sflag:s6], $0x40  }
0x17: {  	s30 =	sshrl.u32 s13, $0x3;
	[sflag:s6] =	ssyncset.done $0x0  }
0x18: {  	s31 =	sand.u32 $0x7, s13;
	s15 =	sadd.s32 s5, s30;
	[sflag:s6] =	ssyncadd.s32 $0xFFFFFFC0  }
0x19: {  	[hbm4b:s15+s31] =	stream.linear.scatter [tilespmem:s14], [sflag:$0x3], $0x40, $0x38;
	[tilespmem:$0x100] =	vst v63  }
.LBB2_5:
0x1a: {  	s15 =	sadd.s32 $0x800, s11  }
0x1b: {  	p2 =	sgt.s32 s15, $0xFFF  }
0x1c: {  	s15 =	smov.u32 @p2 s4;
	p2 =	sne.s32 s12, s9  }
.Ltmp1:
0x1d: {  	p1 =	slt.u32 s12, $0x2;
	(pc) =	sbr.rel @!p2 .LBB2_6-.Ltmp1, $4  }
0x1e: {  	s14 =	simm.s32 @!p1 $0x3  }
0x1f: {  	s16 =	sadd.s32 $0x1, s12;
	_ =	swait.ge @!p1 [sflag:s14], $0x40  }
0x20: {  	s13 =	smov.u32 s11;
	p0 =	por !p0, !p0;
	[sflag:s14] =	ssyncset.done @!p1 $0x0  }
0x21: {  	s12 =	smov.u32 s16;
	s11 =	smov.u32 s15;
	[sflag:s14] =	ssyncadd.s32 @!p1 $0xFFFFFFC0  }
.LBB2_1:
0x22: {  	p1 =	sge.u32 s12, s8  }
0x23: {  	s14 =	sxor.u32 @!p1 $0xFFFFFFFF, s12  }
0x24: {  	s31 =	sadd.s32 $0xFFFFFFFF, s12;
	s15 =	sshrl.u32 @!p1 s11, $0x3;
	s14 =	sshll.u32 @!p1 s14, $0x6  }
0x25: {  	s16 =	sand.u32 @!p1 $0x7, s11;
	s15 =	sadd.s32 @!p1 s3, s15;
	s14 =	sand.u32 @!p1 $0x40, s14  }
0x26: {  	[tilespmem:s14], [sflag:$0x2] =	stream.linear.gather @!p1 [hbm4b:s15+s16], $0x40, $0x38;
	[tilespmem:$0x100] =	vst v63  }
0x27: {  	p1 =	sge.u32 s31, s8  }
.Ltmp2:
0x28: {  	_ = 	snop;
	(pc) =	sbr.rel @p1 .LBB2_5-.Ltmp2, $1  }
0x29: {  	_ =	sdelay $0x3  }
0x2a: {  	s14 =	simm.s32 $0x1  }
0x2b: {  	_ =	swait.ge [sflag:s7], $0x40;
	s14 =	simm.s32 @!p0 $0x0  }
0x2c: {  	[sflag:s7] =	ssyncset.done $0x0;
	s14 =	sshll.u32 s14, $0x6  }
0x2d: {  	[sflag:s7] =	ssyncadd.s32 $0xFFFFFFC0;
	(ifvalue) =	ssetifvalue $0x7FFFFFFF;
	v0 =	vld.msk [tilespmem:s14+$0x0 ss:$0x1], $0xffff;
	_ =	sdelay $0x3  }
0x2e: {  	s15 =	sadd.s32 $0x10, s14  }
0x2f: {  	v2 =	vld.msk [tilespmem:s15+$0x0 ss:$0x1], $0xffff;
	vm1 =	veq.s32 v0, $0x80000000;
	v1 =	vand.u32 $0xFFF, v0;
	v0 =	vshrl.u32 v0, $0xC  }
0x30: {  	v1 =	vsel vm1, $0xFFFFFFFF, v1;
	v0 =	vand.u32 $0x7, v0  }
0x31: {  	v0 =	vsel vm1, $0xFFFFFFFF, v0;
	v3 =	vshll.u32 v1, $0x3  }
0x32: {  	v4 =	vand.u32 $0xFFFF8000, v0;
	v3 =	vand.u32 $0xFFFFFC00, v3;
	v0 =	vshll.u32 v0, $0x7  }
0x33: {  	v3 =	vadd.s32 v3, v4;
	v0 =	vand.u32 $0x380, v0  }
0x34: {  	v1 =	vand.u32 $0x7F, v1;
	vm1 =	veq.s32 v2, $0x80000000;
	v0 =	vor.u32 v0, v3  }
0x35: {  	v0 =	vor.u32 v1, v0;
	v1 =	vand.u32 $0xFFF, v2;
	v2 =	vshrl.u32 v2, $0xC  }
0x36: {  	s17 =	sadd.s32 $0x10, s15;
	v1 =	vsel vm1, $0xFFFFFFFF, v1;
	v2 =	vand.u32 $0x7, v2  }
0x37: {  	v3 =	vld.msk [tilespmem:s17+$0x0 ss:$0x1], $0xffff;
	v2 =	vsel vm1, $0xFFFFFFFF, v2;
	v63 =	vshll.u32 v1, $0x3  }
0x38: {  	v5 =	vand.u32 $0xFFFF8000, v2;
	v4 =	vand.u32 $0xFFFFFC00, v63;
	v2 =	vshll.u32 v2, $0x7  }
0x39: {  	s31 =	sshll.u32 s12, $0x6;
	s15 =	sor.u32 $0x80, s14;
	(ifvalue) =	ssetifvalue $0x7FFFFFFF;
	v4 =	vadd.s32 v4, v5;
	v2 =	vand.u32 $0x380, v2  }
0x3a: {  	[tilespmem:s15], [sflag:$0x1] =	stream.indirect_vreg.gather [hbm4b:s2+s10], $0x1, v0, vm0, $0x4038;
	v0 =	vand.u32 $0x7F, v1;
	v1 =	vor.u32 v2, v4;
	[tilespmem:$0x100] =	vst v63  }
0x3b: {  	s14 =	sand.u32 $0x40, s31;
	v0 =	vor.u32 v0, v1  }
0x3c: {  	s16 =	simm.s32 $0x20;
	s14 =	sor.u32 $0x80, s14;
	s17 =	sadd.s32 $0x10, s17;
	vm1 =	veq.s32 v3, $0x80000000;
	v2 =	vshrl.u32 v3, $0xC;
	v1 =	vand.u32 $0xFFF, v3  }
.LBB2_3:
0x3d: {  	v3 =	vld.msk [tilespmem:s17+$0x0 ss:$0x1], $0xffff;
	s16 =	sadd.s32 $0x10, s16;
	v1 =	vsel vm1, $0xFFFFFFFF, v1;
	v2 =	vand.u32 $0x7, v2  }
0x3e: {  	p1 =	slt.u32 s16, $0x30;
	v2 =	vsel vm1, $0xFFFFFFFF, v2;
	v4 =	vshll.u32 v1, $0x3  }
.Ltmp3:
0x3f: {  	s15 =	sadd.s32 $0x10, s15;
	v5 =	vand.u32 $0xFFFF8000, v2;
	v4 =	vand.u32 $0xFFFFFC00, v4;
	v2 =	vshll.u32 v2, $0x7;
	(ifvalue) =	ssetifvalue $0x7FFFFFFF;
	(pc) =	sbr.rel @p1 .LBB2_3-.Ltmp3, $4  }
0x40: {  	v4 =	vadd.s32 v4, v5;
	v2 =	vand.u32 $0x380, v2;
	[tilespmem:s15], [sflag:$0x1] =	stream.indirect_vreg.gather [hbm4b:s2+s10], $0x1, v0, vm0, $0x4038;
	[tilespmem:$0x100] =	vst v63  }
0x41: {  	v0 =	vand.u32 $0x7F, v1;
	v1 =	vor.u32 v2, v4  }
0x42: {  	v0 =	vor.u32 v0, v1  }
0x43: {  	s17 =	sadd.s32 $0x10, s17;
	vm1 =	veq.s32 v3, $0x80000000;
	v1 =	vand.u32 $0xFFF, v3;
	v2 =	vshrl.u32 v3, $0xC  }
.Ltmp4:
0x44: {  	_ = 	snop;
	(pc) =	sbr.rel .LBB2_4-.Ltmp4, $1  }
0x45: {  	_ =	sdelay $0x3  }
.LBB2_6:
0x46: {  	_ =	sfence.sel $0x180000  }
0x47: {  	s2 =	simm.s32 $0x2;
	[bflag:$0x0] =	sbarrier.arrive $0xFFFF  }
0x48: {  	s30 =	simm.s32 $0x3;
	[sflag:s2] =	ssyncpa.u1 $0x1  }
0x49: {  	s31 =	simm.s32 $0x1;
	[sflag:s30] =	ssyncpa.u1 $0x1  }
0x4a: {  	[sflag:s31] =	ssyncpa.u1 $0x1  }
0x4b: {  	p0 =	sne.s32 s0, $0x0;
	_ =	strace $0x90000047  }
0x4c: {  	s0 =	sadd.s32 @!p0 $0x100000, s1;
	[bflag:$0x2] =	sbarrier.arrive $0xFFFF  }
0x4d: {  	[sflag:s0] =	ssyncadd.tile.s32 @!p0 $0x1;
	_ =	shalt  }
.Lfunc_end2:
_tile_overlayer_lowered:
.L_overlay_start_2:
0x4e: {  	(tag) =	ssettag $0x2  }
0x4f: {  	s0 =	rddreg [dreg:$0x0];
	s2 =	stileid.u32  }
0x50: {  	s1 =	rddreg [dreg:$0x1];
	p0 =	sne.s32 s2, $0x0  }
0x51: {  	s3 =	rddreg [dreg:$0x2];
	[bflag:$0x3] =	sbarrier.arrive $0xFFFF;
	s2 =	simm.s32 @!p0 $0x1C01  }
0x52: {  	[timem:s3], [sflag:s2] =	dma.local @!p0 [hbm:s0], s1  }
0x53: {  	s0 =	simm.s32 @!p0 $0x1  }
0x54: {  	_ =	swait.ge @!p0 [sflag:s0], s1  }
0x55: {  	s1 =	ssub.s32 @!p0 $0x0, s1;
	[sflag:s0] =	ssyncset.done @!p0 $0x0  }
0x56: {  	[sflag:s0] =	ssyncadd.s32 @!p0 s1  }
0x57: {  	[bflag:$0x3] =	sbarrier.arrive $0xFFFF  }
0x58: {  	_ =	shalt  }

</sc_bundles>
